<compile_context>
chip_gen: v7x
topology: tpu7x:2x2x1
jax: 0.10.2.dev20260603
libtpu: 0.0.44.dev20260713+nightly
codegen_flags: <defaults>
</compile_context>

<pallas_src>
import functools
import math

import jax
import jax.numpy as jnp
from jax import lax
from jax.experimental import pallas as pl
from jax.experimental.pallas import tpu as pltpu
from jax.experimental.pallas import tpu_sc as plsc

DT_SCALE = math.log1p(168.0)

B, L = 16384, 200
NC, NS = 2, 16
NW = NC * NS
CW = B // NW
RBLK = 8
N_CHUNKS = L // RBLK
NBUF = 4

_mesh = plsc.VectorSubcoreMesh(core_axis_name="c", subcore_axis_name="s")


@functools.partial(
    pl.kernel,
    mesh=_mesh,
    compiler_params=pltpu.CompilerParams(needs_layout_passes=False),
    out_type=jax.ShapeDtypeStruct((L, B), jnp.float32),
    scratch_types=[
        pltpu.VMEM((16,), jnp.float32),
        pltpu.VMEM((16,), jnp.float32),
        pltpu.VMEM((NBUF, RBLK, CW), jnp.float32),
        pltpu.VMEM((NBUF, RBLK, CW), jnp.float32),
        pltpu.VMEM((NBUF, RBLK, CW), jnp.int32),
        pltpu.VMEM((NBUF, RBLK, CW), jnp.float32),
        pltpu.SemaphoreType.DMA((NBUF,)),
        pltpu.SemaphoreType.DMA((NBUF,)),
    ],
)
def _sc_recovery(mpc_hbm, dt_hbm, idx_hbm, ltau_hbm, out_hbm,
                 ltau_v, itau_v, mpc_v, dt_v, idx_v, out_v,
                 in_sem, out_sem):
    wid = lax.axis_index("s") * NC + lax.axis_index("c")
    col0 = wid * CW

    def in_copies(c, b):
        rs = pl.ds(c * RBLK, RBLK)
        cs = pl.ds(col0, CW)
        return (
            pltpu.make_async_copy(mpc_hbm.at[rs, cs], mpc_v.at[b], in_sem.at[b]),
            pltpu.make_async_copy(dt_hbm.at[rs, cs], dt_v.at[b], in_sem.at[b]),
            pltpu.make_async_copy(idx_hbm.at[rs, cs], idx_v.at[b], in_sem.at[b]),
        )

    def out_copy(c, b):
        return pltpu.make_async_copy(
            out_v.at[b], out_hbm.at[pl.ds(c * RBLK, RBLK), pl.ds(col0, CW)],
            out_sem.at[b])

    def start_in(c, b):
        for cp in in_copies(c, b):
            cp.start()

    for c in range(NBUF):
        start_in(c, c)

    pltpu.sync_copy(ltau_hbm, ltau_v.at[pl.ds(0, 15)])
    itau_v[...] = -jnp.exp(-ltau_v[...])

    def chunk_body(c, carry):
        b = c & (NBUF - 1)
        for cp in in_copies(c, b):
            cp.wait()

        @pl.when(c >= NBUF)
        def _drain():
            out_copy(c - NBUF, b).wait()

        @plsc.parallel_loop(0, RBLK * CW, step=16, unroll=8)
        def _compute(i):
            r = i >> 9
            col = i & (CW - 1)
            s = pl.ds(col, 16)
            neg_inv_tau = plsc.load_gather(itau_v, [idx_v[b, r, s]])
            e1 = jnp.exp(dt_v[b, r, s] * DT_SCALE)
            out_v[b, r, s] = 1.0 - (1.0 - mpc_v[b, r, s]) * jnp.exp(
                (e1 - 1.0) * neg_inv_tau)

        out_copy(c, b).start()

        @pl.when(c + NBUF < N_CHUNKS)
        def _prefetch():
            start_in(c + NBUF, b)

        return carry

    lax.fori_loop(0, N_CHUNKS, chunk_body, 0)

    for c in range(N_CHUNKS - NBUF, N_CHUNKS):
        out_copy(c, c & (NBUF - 1)).wait()


def kernel(mpc, delta_t, muscle_idx, log_tau):
    out_t = _sc_recovery(mpc.T, delta_t.T, muscle_idx.astype(jnp.int32).T,
                         log_tau)
    return out_t.T

# --- scband reference (transcript-rebuilt; emitter-appended) ---
"""Pipeline reference for scband-exponential-recovery-326417515105 (READ-ONLY COPY).

The authoritative reference and input builder live on the scoring server;
editing this copy changes nothing except your own understanding.
"""

import jax, jax.numpy as jnp
import numpy as np
import math

DT_SCALE = math.log1p(168.0)
FIXED_TAU = [16.0, 13.0, 9.0, 8.0, 10.0, 9.0, 13.0, 13.0, 19.0, 18.0, 15.0, 12.0, 12.0, 8.0, 10.0]

def setup_inputs(seed: int = 0) -> dict:
    key = jax.random.key(seed)
    k1, k2, k3 = jax.random.split(key, 3)
    B, L = 16384, 200
    mpc = jax.random.uniform(k1, (B, L), dtype=jnp.float32)
    delta_t = jax.random.uniform(k2, (B, L), dtype=jnp.float32)
    muscle_idx = jax.random.randint(k3, (B, L), 0, 15, dtype=jnp.int64 if jax.config.jax_enable_x64 else jnp.int32)
    log_tau = jnp.log(jnp.asarray(FIXED_TAU, dtype=jnp.float32))
    return {"mpc": mpc, "delta_t": delta_t, "muscle_idx": muscle_idx, "log_tau": log_tau}

def reference(mpc, delta_t, muscle_idx, log_tau):
    dt_hours = jnp.expm1(delta_t * DT_SCALE)
    tau = jnp.exp(jnp.take(log_tau, muscle_idx, axis=0))
    return 1.0 - (1.0 - mpc) * jnp.exp(-dt_hours / tau)

if __name__ == "__main__":
    import jax
    _d = setup_inputs()
    print(jax.jit(kernel)(*tuple(_d.values())))

</pallas_src>

<mosaic_0001>
#map = affine_map<(d0, d1) -> (0, 0)>
#map1 = affine_map<(d0, d1) -> (0)>
module attributes {stable_mosaic.version = 14 : i64} {
  func.func @_sc_recovery(%arg0: i32, %arg1: i32, %arg2: memref<200x16384xf32, #tpu.memory_space<hbm>>, %arg3: memref<200x16384xf32, #tpu.memory_space<hbm>>, %arg4: memref<200x16384xi32, #tpu.memory_space<hbm>>, %arg5: memref<15xf32, #tpu.memory_space<hbm>>, %arg6: memref<200x16384xf32, #tpu.memory_space<hbm>>, %arg7: memref<16xf32, #tpu.memory_space<vmem>>, %arg8: memref<16xf32, #tpu.memory_space<vmem>>, %arg9: memref<4x8x512xf32, #tpu.memory_space<vmem>>, %arg10: memref<4x8x512xf32, #tpu.memory_space<vmem>>, %arg11: memref<4x8x512xi32, #tpu.memory_space<vmem>>, %arg12: memref<4x8x512xf32, #tpu.memory_space<vmem>>, %arg13: memref<4x!tpu.dma_semaphore, #tpu.memory_space<semaphore_mem>>, %arg14: memref<4x!tpu.dma_semaphore, #tpu.memory_space<semaphore_mem>>) attributes {dimension_semantics = [#tpu.dimension_semantics<core_parallel>, #tpu.dimension_semantics<subcore_parallel>], iteration_bounds = array<i64: 2, 16>, scalar_prefetch = 0 : i64, scratch_operands = 8 : i64, tpu.core_type = #tpu.core_type<sc_vector_subcore>, window_params = [{transform_indices = #map}, {transform_indices = #map}, {transform_indices = #map}, {transform_indices = #map1}, {transform_indices = #map}]} {
    %mul3A = arith.constant 2 : i32
    %mul3A_0 = arith.muli %arg1, %mul3A : i32
    %add3A = arith.addi %mul3A_0, %arg0 : i32
    %mul3A_1 = arith.constant 512 : i32
    %mul3A_2 = arith.muli %add3A, %mul3A_1 : i32
    %dma_start3A = arith.constant 0 : i32
    %dma_start3A_3 = arith.constant 0 : i32
    %dma_start3A_4 = arith.constant 0 : i32
    %dma_start3A_5 = arith.constant 0 : i32
    %dma_start3A_6 = tpu.memref_slice %arg9[%dma_start3A, %dma_start3A_4, %dma_start3A_5] : memref<4x8x512xf32, #tpu.memory_space<vmem>> -> memref<1x8x512xf32, #tpu.memory_space<vmem>>
    %dma_start3A_7 = tpu.memref_squeeze %dma_start3A_6 : memref<1x8x512xf32, #tpu.memory_space<vmem>> -> memref<8x512xf32, #tpu.memory_space<vmem>>
    %dma_start3A_8 = arith.constant 0 : i32
    %dma_start3A_9 = tpu.memref_slice %arg2[%dma_start3A_8, %mul3A_2] : memref<200x16384xf32, #tpu.memory_space<hbm>> -> memref<8x512xf32, #tpu.memory_space<hbm>>
    %dma_start3A_10 = tpu.memref_slice %arg13[%dma_start3A_3] : memref<4x!tpu.dma_semaphore, #tpu.memory_space<semaphore_mem>> -> memref<1x!tpu.dma_semaphore, #tpu.memory_space<semaphore_mem>>
    %dma_start3A_11 = tpu.memref_squeeze %dma_start3A_10 : memref<1x!tpu.dma_semaphore, #tpu.memory_space<semaphore_mem>> -> memref<!tpu.dma_semaphore, #tpu.memory_space<semaphore_mem>>
    %dma_start3A_12 = arith.constant 0 : i32
    %dma_start3A_13 = arith.constant 0 : i32
    %dma_start3A_14 = tpu.memref_slice %arg9[%dma_start3A, %dma_start3A_12, %dma_start3A_13] : memref<4x8x512xf32, #tpu.memory_space<vmem>> -> memref<1x8x512xf32, #tpu.memory_space<vmem>>
    %dma_start3A_15 = tpu.memref_squeeze %dma_start3A_14 : memref<1x8x512xf32, #tpu.memory_space<vmem>> -> memref<8x512xf32, #tpu.memory_space<vmem>>
    %dma_start3A_16 = arith.constant 0 : i32
    %dma_start3A_17 = tpu.memref_slice %arg2[%dma_start3A_16, %mul3A_2] : memref<200x16384xf32, #tpu.memory_space<hbm>> -> memref<8x512xf32, #tpu.memory_space<hbm>>
    tpu.enqueue_dma source(%dma_start3A_17 : memref<8x512xf32, #tpu.memory_space<hbm>>) target(%dma_start3A_15 : memref<8x512xf32, #tpu.memory_space<vmem>>) target_semaphore(%dma_start3A_11 : memref<!tpu.dma_semaphore, #tpu.memory_space<semaphore_mem>>)
    %dma_start3A_18 = arith.constant 0 : i32
    %dma_start3A_19 = arith.constant 0 : i32
    %dma_start3A_20 = arith.constant 0 : i32
    %dma_start3A_21 = arith.constant 0 : i32
    %dma_start3A_22 = tpu.memref_slice %arg10[%dma_start3A_18, %dma_start3A_20, %dma_start3A_21] : memref<4x8x512xf32, #tpu.memory_space<vmem>> -> memref<1x8x512xf32, #tpu.memory_space<vmem>>
    %dma_start3A_23 = tpu.memref_squeeze %dma_start3A_22 : memref<1x8x512xf32, #tpu.memory_space<vmem>> -> memref<8x512xf32, #tpu.memory_space<vmem>>
    %dma_start3A_24 = arith.constant 0 : i32
    %dma_start3A_25 = tpu.memref_slice %arg3[%dma_start3A_24, %mul3A_2] : memref<200x16384xf32, #tpu.memory_space<hbm>> -> memref<8x512xf32, #tpu.memory_space<hbm>>
    %dma_start3A_26 = tpu.memref_slice %arg13[%dma_start3A_19] : memref<4x!tpu.dma_semaphore, #tpu.memory_space<semaphore_mem>> -> memref<1x!tpu.dma_semaphore, #tpu.memory_space<semaphore_mem>>
    %dma_start3A_27 = tpu.memref_squeeze %dma_start3A_26 : memref<1x!tpu.dma_semaphore, #tpu.memory_space<semaphore_mem>> -> memref<!tpu.dma_semaphore, #tpu.memory_space<semaphore_mem>>
    %dma_start3A_28 = arith.constant 0 : i32
    %dma_start3A_29 = arith.constant 0 : i32
    %dma_start3A_30 = tpu.memref_slice %arg10[%dma_start3A_18, %dma_start3A_28, %dma_start3A_29] : memref<4x8x512xf32, #tpu.memory_space<vmem>> -> memref<1x8x512xf32, #tpu.memory_space<vmem>>
    %dma_start3A_31 = tpu.memref_squeeze %dma_start3A_30 : memref<1x8x512xf32, #tpu.memory_space<vmem>> -> memref<8x512xf32, #tpu.memory_space<vmem>>
    %dma_start3A_32 = arith.constant 0 : i32
    %dma_start3A_33 = tpu.memref_slice %arg3[%dma_start3A_32, %mul3A_2] : memref<200x16384xf32, #tpu.memory_space<hbm>> -> memref<8x512xf32, #tpu.memory_space<hbm>>
    tpu.enqueue_dma source(%dma_start3A_33 : memref<8x512xf32, #tpu.memory_space<hbm>>) target(%dma_start3A_31 : memref<8x512xf32, #tpu.memory_space<vmem>>) target_semaphore(%dma_start3A_27 : memref<!tpu.dma_semaphore, #tpu.memory_space<semaphore_mem>>)
    %dma_start3A_34 = arith.constant 0 : i32
    %dma_start3A_35 = arith.constant 0 : i32
    %dma_start3A_36 = arith.constant 0 : i32
    %dma_start3A_37 = arith.constant 0 : i32
    %dma_start3A_38 = tpu.memref_slice %arg11[%dma_start3A_34, %dma_start3A_36, %dma_start3A_37] : memref<4x8x512xi32, #tpu.memory_space<vmem>> -> memref<1x8x512xi32, #tpu.memory_space<vmem>>
    %dma_start3A_39 = tpu.memref_squeeze %dma_start3A_38 : memref<1x8x512xi32, #tpu.memory_space<vmem>> -> memref<8x512xi32, #tpu.memory_space<vmem>>
    %dma_start3A_40 = arith.constant 0 : i32
    %dma_start3A_41 = tpu.memref_slice %arg4[%dma_start3A_40, %mul3A_2] : memref<200x16384xi32, #tpu.memory_space<hbm>> -> memref<8x512xi32, #tpu.memory_space<hbm>>
    %dma_start3A_42 = tpu.memref_slice %arg13[%dma_start3A_35] : memref<4x!tpu.dma_semaphore, #tpu.memory_space<semaphore_mem>> -> memref<1x!tpu.dma_semaphore, #tpu.memory_space<semaphore_mem>>
    %dma_start3A_43 = tpu.memref_squeeze %dma_start3A_42 : memref<1x!tpu.dma_semaphore, #tpu.memory_space<semaphore_mem>> -> memref<!tpu.dma_semaphore, #tpu.memory_space<semaphore_mem>>
    %dma_start3A_44 = arith.constant 0 : i32
    %dma_start3A_45 = arith.constant 0 : i32
    %dma_start3A_46 = tpu.memref_slice %arg11[%dma_start3A_34, %dma_start3A_44, %dma_start3A_45] : memref<4x8x512xi32, #tpu.memory_space<vmem>> -> memref<1x8x512xi32, #tpu.memory_space<vmem>>
    %dma_start3A_47 = tpu.memref_squeeze %dma_start3A_46 : memref<1x8x512xi32, #tpu.memory_space<vmem>> -> memref<8x512xi32, #tpu.memory_space<vmem>>
    %dma_start3A_48 = arith.constant 0 : i32
    %dma_start3A_49 = tpu.memref_slice %arg4[%dma_start3A_48, %mul3A_2] : memref<200x16384xi32, #tpu.memory_space<hbm>> -> memref<8x512xi32, #tpu.memory_space<hbm>>
    tpu.enqueue_dma source(%dma_start3A_49 : memref<8x512xi32, #tpu.memory_space<hbm>>) target(%dma_start3A_47 : memref<8x512xi32, #tpu.memory_space<vmem>>) target_semaphore(%dma_start3A_43 : memref<!tpu.dma_semaphore, #tpu.memory_space<semaphore_mem>>)
    %dma_start3A_50 = arith.constant 1 : i32
    %dma_start3A_51 = arith.constant 1 : i32
    %dma_start3A_52 = arith.constant 0 : i32
    %dma_start3A_53 = arith.constant 0 : i32
    %dma_start3A_54 = tpu.memref_slice %arg9[%dma_start3A_50, %dma_start3A_52, %dma_start3A_53] : memref<4x8x512xf32, #tpu.memory_space<vmem>> -> memref<1x8x512xf32, #tpu.memory_space<vmem>>
    %dma_start3A_55 = tpu.memref_squeeze %dma_start3A_54 : memref<1x8x512xf32, #tpu.memory_space<vmem>> -> memref<8x512xf32, #tpu.memory_space<vmem>>
    %dma_start3A_56 = arith.constant 8 : i32
    %dma_start3A_57 = tpu.memref_slice %arg2[%dma_start3A_56, %mul3A_2] : memref<200x16384xf32, #tpu.memory_space<hbm>> -> memref<8x512xf32, #tpu.memory_space<hbm>>
    %dma_start3A_58 = tpu.memref_slice %arg13[%dma_start3A_51] : memref<4x!tpu.dma_semaphore, #tpu.memory_space<semaphore_mem>> -> memref<1x!tpu.dma_semaphore, #tpu.memory_space<semaphore_mem>>
    %dma_start3A_59 = tpu.memref_squeeze %dma_start3A_58 : memref<1x!tpu.dma_semaphore, #tpu.memory_space<semaphore_mem>> -> memref<!tpu.dma_semaphore, #tpu.memory_space<semaphore_mem>>
    %dma_start3A_60 = arith.constant 0 : i32
    %dma_start3A_61 = arith.constant 0 : i32
    %dma_start3A_62 = tpu.memref_slice %arg9[%dma_start3A_50, %dma_start3A_60, %dma_start3A_61] : memref<4x8x512xf32, #tpu.memory_space<vmem>> -> memref<1x8x512xf32, #tpu.memory_space<vmem>>
    %dma_start3A_63 = tpu.memref_squeeze %dma_start3A_62 : memref<1x8x512xf32, #tpu.memory_space<vmem>> -> memref<8x512xf32, #tpu.memory_space<vmem>>
    %dma_start3A_64 = arith.constant 8 : i32
    %dma_start3A_65 = tpu.memref_slice %arg2[%dma_start3A_64, %mul3A_2] : memref<200x16384xf32, #tpu.memory_space<hbm>> -> memref<8x512xf32, #tpu.memory_space<hbm>>
    tpu.enqueue_dma source(%dma_start3A_65 : memref<8x512xf32, #tpu.memory_space<hbm>>) target(%dma_start3A_63 : memref<8x512xf32, #tpu.memory_space<vmem>>) target_semaphore(%dma_start3A_59 : memref<!tpu.dma_semaphore, #tpu.memory_space<semaphore_mem>>)
    %dma_start3A_66 = arith.constant 1 : i32
    %dma_start3A_67 = arith.constant 1 : i32
    %dma_start3A_68 = arith.constant 0 : i32
    %dma_start3A_69 = arith.constant 0 : i32
    %dma_start3A_70 = tpu.memref_slice %arg10[%dma_start3A_66, %dma_start3A_68, %dma_start3A_69] : memref<4x8x512xf32, #tpu.memory_space<vmem>> -> memref<1x8x512xf32, #tpu.memory_space<vmem>>
    %dma_start3A_71 = tpu.memref_squeeze %dma_start3A_70 : memref<1x8x512xf32, #tpu.memory_space<vmem>> -> memref<8x512xf32, #tpu.memory_space<vmem>>
    %dma_start3A_72 = arith.constant 8 : i32
    %dma_start3A_73 = tpu.memref_slice %arg3[%dma_start3A_72, %mul3A_2] : memref<200x16384xf32, #tpu.memory_space<hbm>> -> memref<8x512xf32, #tpu.memory_space<hbm>>
    %dma_start3A_74 = tpu.memref_slice %arg13[%dma_start3A_67] : memref<4x!tpu.dma_semaphore, #tpu.memory_space<semaphore_mem>> -> memref<1x!tpu.dma_semaphore, #tpu.memory_space<semaphore_mem>>
    %dma_start3A_75 = tpu.memref_squeeze %dma_start3A_74 : memref<1x!tpu.dma_semaphore, #tpu.memory_space<semaphore_mem>> -> memref<!tpu.dma_semaphore, #tpu.memory_space<semaphore_mem>>
    %dma_start3A_76 = arith.constant 0 : i32
    %dma_start3A_77 = arith.constant 0 : i32
    %dma_start3A_78 = tpu.memref_slice %arg10[%dma_start3A_66, %dma_start3A_76, %dma_start3A_77] : memref<4x8x512xf32, #tpu.memory_space<vmem>> -> memref<1x8x512xf32, #tpu.memory_space<vmem>>
    %dma_start3A_79 = tpu.memref_squeeze %dma_start3A_78 : memref<1x8x512xf32, #tpu.memory_space<vmem>> -> memref<8x512xf32, #tpu.memory_space<vmem>>
    %dma_start3A_80 = arith.constant 8 : i32
    %dma_start3A_81 = tpu.memref_slice %arg3[%dma_start3A_80, %mul3A_2] : memref<200x16384xf32, #tpu.memory_space<hbm>> -> memref<8x512xf32, #tpu.memory_space<hbm>>
    tpu.enqueue_dma source(%dma_start3A_81 : memref<8x512xf32, #tpu.memory_space<hbm>>) target(%dma_start3A_79 : memref<8x512xf32, #tpu.memory_space<vmem>>) target_semaphore(%dma_start3A_75 : memref<!tpu.dma_semaphore, #tpu.memory_space<semaphore_mem>>)
    %dma_start3A_82 = arith.constant 1 : i32
    %dma_start3A_83 = arith.constant 1 : i32
    %dma_start3A_84 = arith.constant 0 : i32
    %dma_start3A_85 = arith.constant 0 : i32
    %dma_start3A_86 = tpu.memref_slice %arg11[%dma_start3A_82, %dma_start3A_84, %dma_start3A_85] : memref<4x8x512xi32, #tpu.memory_space<vmem>> -> memref<1x8x512xi32, #tpu.memory_space<vmem>>
    %dma_start3A_87 = tpu.memref_squeeze %dma_start3A_86 : memref<1x8x512xi32, #tpu.memory_space<vmem>> -> memref<8x512xi32, #tpu.memory_space<vmem>>
    %dma_start3A_88 = arith.constant 8 : i32
    %dma_start3A_89 = tpu.memref_slice %arg4[%dma_start3A_88, %mul3A_2] : memref<200x16384xi32, #tpu.memory_space<hbm>> -> memref<8x512xi32, #tpu.memory_space<hbm>>
    %dma_start3A_90 = tpu.memref_slice %arg13[%dma_start3A_83] : memref<4x!tpu.dma_semaphore, #tpu.memory_space<semaphore_mem>> -> memref<1x!tpu.dma_semaphore, #tpu.memory_space<semaphore_mem>>
    %dma_start3A_91 = tpu.memref_squeeze %dma_start3A_90 : memref<1x!tpu.dma_semaphore, #tpu.memory_space<semaphore_mem>> -> memref<!tpu.dma_semaphore, #tpu.memory_space<semaphore_mem>>
    %dma_start3A_92 = arith.constant 0 : i32
    %dma_start3A_93 = arith.constant 0 : i32
    %dma_start3A_94 = tpu.memref_slice %arg11[%dma_start3A_82, %dma_start3A_92, %dma_start3A_93] : memref<4x8x512xi32, #tpu.memory_space<vmem>> -> memref<1x8x512xi32, #tpu.memory_space<vmem>>
    %dma_start3A_95 = tpu.memref_squeeze %dma_start3A_94 : memref<1x8x512xi32, #tpu.memory_space<vmem>> -> memref<8x512xi32, #tpu.memory_space<vmem>>
    %dma_start3A_96 = arith.constant 8 : i32
    %dma_start3A_97 = tpu.memref_slice %arg4[%dma_start3A_96, %mul3A_2] : memref<200x16384xi32, #tpu.memory_space<hbm>> -> memref<8x512xi32, #tpu.memory_space<hbm>>
    tpu.enqueue_dma source(%dma_start3A_97 : memref<8x512xi32, #tpu.memory_space<hbm>>) target(%dma_start3A_95 : memref<8x512xi32, #tpu.memory_space<vmem>>) target_semaphore(%dma_start3A_91 : memref<!tpu.dma_semaphore, #tpu.memory_space<semaphore_mem>>)
    %dma_start3A_98 = arith.constant 2 : i32
    %dma_start3A_99 = arith.constant 2 : i32
    %dma_start3A_100 = arith.constant 0 : i32
    %dma_start3A_101 = arith.constant 0 : i32
    %dma_start3A_102 = tpu.memref_slice %arg9[%dma_start3A_98, %dma_start3A_100, %dma_start3A_101] : memref<4x8x512xf32, #tpu.memory_space<vmem>> -> memref<1x8x512xf32, #tpu.memory_space<vmem>>
    %dma_start3A_103 = tpu.memref_squeeze %dma_start3A_102 : memref<1x8x512xf32, #tpu.memory_space<vmem>> -> memref<8x512xf32, #tpu.memory_space<vmem>>
    %dma_start3A_104 = arith.constant 16 : i32
    %dma_start3A_105 = tpu.memref_slice %arg2[%dma_start3A_104, %mul3A_2] : memref<200x16384xf32, #tpu.memory_space<hbm>> -> memref<8x512xf32, #tpu.memory_space<hbm>>
    %dma_start3A_106 = tpu.memref_slice %arg13[%dma_start3A_99] : memref<4x!tpu.dma_semaphore, #tpu.memory_space<semaphore_mem>> -> memref<1x!tpu.dma_semaphore, #tpu.memory_space<semaphore_mem>>
    %dma_start3A_107 = tpu.memref_squeeze %dma_start3A_106 : memref<1x!tpu.dma_semaphore, #tpu.memory_space<semaphore_mem>> -> memref<!tpu.dma_semaphore, #tpu.memory_space<semaphore_mem>>
    %dma_start3A_108 = arith.constant 0 : i32
    %dma_start3A_109 = arith.constant 0 : i32
    %dma_start3A_110 = tpu.memref_slice %arg9[%dma_start3A_98, %dma_start3A_108, %dma_start3A_109] : memref<4x8x512xf32, #tpu.memory_space<vmem>> -> memref<1x8x512xf32, #tpu.memory_space<vmem>>
    %dma_start3A_111 = tpu.memref_squeeze %dma_start3A_110 : memref<1x8x512xf32, #tpu.memory_space<vmem>> -> memref<8x512xf32, #tpu.memory_space<vmem>>
    %dma_start3A_112 = arith.constant 16 : i32
    %dma_start3A_113 = tpu.memref_slice %arg2[%dma_start3A_112, %mul3A_2] : memref<200x16384xf32, #tpu.memory_space<hbm>> -> memref<8x512xf32, #tpu.memory_space<hbm>>
    tpu.enqueue_dma source(%dma_start3A_113 : memref<8x512xf32, #tpu.memory_space<hbm>>) target(%dma_start3A_111 : memref<8x512xf32, #tpu.memory_space<vmem>>) target_semaphore(%dma_start3A_107 : memref<!tpu.dma_semaphore, #tpu.memory_space<semaphore_mem>>)
    %dma_start3A_114 = arith.constant 2 : i32
    %dma_start3A_115 = arith.constant 2 : i32
    %dma_start3A_116 = arith.constant 0 : i32
    %dma_start3A_117 = arith.constant 0 : i32
    %dma_start3A_118 = tpu.memref_slice %arg10[%dma_start3A_114, %dma_start3A_116, %dma_start3A_117] : memref<4x8x512xf32, #tpu.memory_space<vmem>> -> memref<1x8x512xf32, #tpu.memory_space<vmem>>
    %dma_start3A_119 = tpu.memref_squeeze %dma_start3A_118 : memref<1x8x512xf32, #tpu.memory_space<vmem>> -> memref<8x512xf32, #tpu.memory_space<vmem>>
    %dma_start3A_120 = arith.constant 16 : i32
    %dma_start3A_121 = tpu.memref_slice %arg3[%dma_start3A_120, %mul3A_2] : memref<200x16384xf32, #tpu.memory_space<hbm>> -> memref<8x512xf32, #tpu.memory_space<hbm>>
    %dma_start3A_122 = tpu.memref_slice %arg13[%dma_start3A_115] : memref<4x!tpu.dma_semaphore, #tpu.memory_space<semaphore_mem>> -> memref<1x!tpu.dma_semaphore, #tpu.memory_space<semaphore_mem>>
    %dma_start3A_123 = tpu.memref_squeeze %dma_start3A_122 : memref<1x!tpu.dma_semaphore, #tpu.memory_space<semaphore_mem>> -> memref<!tpu.dma_semaphore, #tpu.memory_space<semaphore_mem>>
    %dma_start3A_124 = arith.constant 0 : i32
    %dma_start3A_125 = arith.constant 0 : i32
    %dma_start3A_126 = tpu.memref_slice %arg10[%dma_start3A_114, %dma_start3A_124, %dma_start3A_125] : memref<4x8x512xf32, #tpu.memory_space<vmem>> -> memref<1x8x512xf32, #tpu.memory_space<vmem>>
    %dma_start3A_127 = tpu.memref_squeeze %dma_start3A_126 : memref<1x8x512xf32, #tpu.memory_space<vmem>> -> memref<8x512xf32, #tpu.memory_space<vmem>>
    %dma_start3A_128 = arith.constant 16 : i32
    %dma_start3A_129 = tpu.memref_slice %arg3[%dma_start3A_128, %mul3A_2] : memref<200x16384xf32, #tpu.memory_space<hbm>> -> memref<8x512xf32, #tpu.memory_space<hbm>>
    tpu.enqueue_dma source(%dma_start3A_129 : memref<8x512xf32, #tpu.memory_space<hbm>>) target(%dma_start3A_127 : memref<8x512xf32, #tpu.memory_space<vmem>>) target_semaphore(%dma_start3A_123 : memref<!tpu.dma_semaphore, #tpu.memory_space<semaphore_mem>>)
    %dma_start3A_130 = arith.constant 2 : i32
    %dma_start3A_131 = arith.constant 2 : i32
    %dma_start3A_132 = arith.constant 0 : i32
    %dma_start3A_133 = arith.constant 0 : i32
    %dma_start3A_134 = tpu.memref_slice %arg11[%dma_start3A_130, %dma_start3A_132, %dma_start3A_133] : memref<4x8x512xi32, #tpu.memory_space<vmem>> -> memref<1x8x512xi32, #tpu.memory_space<vmem>>
    %dma_start3A_135 = tpu.memref_squeeze %dma_start3A_134 : memref<1x8x512xi32, #tpu.memory_space<vmem>> -> memref<8x512xi32, #tpu.memory_space<vmem>>
    %dma_start3A_136 = arith.constant 16 : i32
    %dma_start3A_137 = tpu.memref_slice %arg4[%dma_start3A_136, %mul3A_2] : memref<200x16384xi32, #tpu.memory_space<hbm>> -> memref<8x512xi32, #tpu.memory_space<hbm>>
    %dma_start3A_138 = tpu.memref_slice %arg13[%dma_start3A_131] : memref<4x!tpu.dma_semaphore, #tpu.memory_space<semaphore_mem>> -> memref<1x!tpu.dma_semaphore, #tpu.memory_space<semaphore_mem>>
    %dma_start3A_139 = tpu.memref_squeeze %dma_start3A_138 : memref<1x!tpu.dma_semaphore, #tpu.memory_space<semaphore_mem>> -> memref<!tpu.dma_semaphore, #tpu.memory_space<semaphore_mem>>
    %dma_start3A_140 = arith.constant 0 : i32
    %dma_start3A_141 = arith.constant 0 : i32
    %dma_start3A_142 = tpu.memref_slice %arg11[%dma_start3A_130, %dma_start3A_140, %dma_start3A_141] : memref<4x8x512xi32, #tpu.memory_space<vmem>> -> memref<1x8x512xi32, #tpu.memory_space<vmem>>
    %dma_start3A_143 = tpu.memref_squeeze %dma_start3A_142 : memref<1x8x512xi32, #tpu.memory_space<vmem>> -> memref<8x512xi32, #tpu.memory_space<vmem>>
    %dma_start3A_144 = arith.constant 16 : i32
    %dma_start3A_145 = tpu.memref_slice %arg4[%dma_start3A_144, %mul3A_2] : memref<200x16384xi32, #tpu.memory_space<hbm>> -> memref<8x512xi32, #tpu.memory_space<hbm>>
    tpu.enqueue_dma source(%dma_start3A_145 : memref<8x512xi32, #tpu.memory_space<hbm>>) target(%dma_start3A_143 : memref<8x512xi32, #tpu.memory_space<vmem>>) target_semaphore(%dma_start3A_139 : memref<!tpu.dma_semaphore, #tpu.memory_space<semaphore_mem>>)
    %dma_start3A_146 = arith.constant 3 : i32
    %dma_start3A_147 = arith.constant 3 : i32
    %dma_start3A_148 = arith.constant 0 : i32
    %dma_start3A_149 = arith.constant 0 : i32
    %dma_start3A_150 = tpu.memref_slice %arg9[%dma_start3A_146, %dma_start3A_148, %dma_start3A_149] : memref<4x8x512xf32, #tpu.memory_space<vmem>> -> memref<1x8x512xf32, #tpu.memory_space<vmem>>
    %dma_start3A_151 = tpu.memref_squeeze %dma_start3A_150 : memref<1x8x512xf32, #tpu.memory_space<vmem>> -> memref<8x512xf32, #tpu.memory_space<vmem>>
    %dma_start3A_152 = arith.constant 24 : i32
    %dma_start3A_153 = tpu.memref_slice %arg2[%dma_start3A_152, %mul3A_2] : memref<200x16384xf32, #tpu.memory_space<hbm>> -> memref<8x512xf32, #tpu.memory_space<hbm>>
    %dma_start3A_154 = tpu.memref_slice %arg13[%dma_start3A_147] : memref<4x!tpu.dma_semaphore, #tpu.memory_space<semaphore_mem>> -> memref<1x!tpu.dma_semaphore, #tpu.memory_space<semaphore_mem>>
    %dma_start3A_155 = tpu.memref_squeeze %dma_start3A_154 : memref<1x!tpu.dma_semaphore, #tpu.memory_space<semaphore_mem>> -> memref<!tpu.dma_semaphore, #tpu.memory_space<semaphore_mem>>
    %dma_start3A_156 = arith.constant 0 : i32
    %dma_start3A_157 = arith.constant 0 : i32
    %dma_start3A_158 = tpu.memref_slice %arg9[%dma_start3A_146, %dma_start3A_156, %dma_start3A_157] : memref<4x8x512xf32, #tpu.memory_space<vmem>> -> memref<1x8x512xf32, #tpu.memory_space<vmem>>
    %dma_start3A_159 = tpu.memref_squeeze %dma_start3A_158 : memref<1x8x512xf32, #tpu.memory_space<vmem>> -> memref<8x512xf32, #tpu.memory_space<vmem>>
    %dma_start3A_160 = arith.constant 24 : i32
    %dma_start3A_161 = tpu.memref_slice %arg2[%dma_start3A_160, %mul3A_2] : memref<200x16384xf32, #tpu.memory_space<hbm>> -> memref<8x512xf32, #tpu.memory_space<hbm>>
    tpu.enqueue_dma source(%dma_start3A_161 : memref<8x512xf32, #tpu.memory_space<hbm>>) target(%dma_start3A_159 : memref<8x512xf32, #tpu.memory_space<vmem>>) target_semaphore(%dma_start3A_155 : memref<!tpu.dma_semaphore, #tpu.memory_space<semaphore_mem>>)
    %dma_start3A_162 = arith.constant 3 : i32
    %dma_start3A_163 = arith.constant 3 : i32
    %dma_start3A_164 = arith.constant 0 : i32
    %dma_start3A_165 = arith.constant 0 : i32
    %dma_start3A_166 = tpu.memref_slice %arg10[%dma_start3A_162, %dma_start3A_164, %dma_start3A_165] : memref<4x8x512xf32, #tpu.memory_space<vmem>> -> memref<1x8x512xf32, #tpu.memory_space<vmem>>
    %dma_start3A_167 = tpu.memref_squeeze %dma_start3A_166 : memref<1x8x512xf32, #tpu.memory_space<vmem>> -> memref<8x512xf32, #tpu.memory_space<vmem>>
    %dma_start3A_168 = arith.constant 24 : i32
    %dma_start3A_169 = tpu.memref_slice %arg3[%dma_start3A_168, %mul3A_2] : memref<200x16384xf32, #tpu.memory_space<hbm>> -> memref<8x512xf32, #tpu.memory_space<hbm>>
    %dma_start3A_170 = tpu.memref_slice %arg13[%dma_start3A_163] : memref<4x!tpu.dma_semaphore, #tpu.memory_space<semaphore_mem>> -> memref<1x!tpu.dma_semaphore, #tpu.memory_space<semaphore_mem>>
    %dma_start3A_171 = tpu.memref_squeeze %dma_start3A_170 : memref<1x!tpu.dma_semaphore, #tpu.memory_space<semaphore_mem>> -> memref<!tpu.dma_semaphore, #tpu.memory_space<semaphore_mem>>
    %dma_start3A_172 = arith.constant 0 : i32
    %dma_start3A_173 = arith.constant 0 : i32
    %dma_start3A_174 = tpu.memref_slice %arg10[%dma_start3A_162, %dma_start3A_172, %dma_start3A_173] : memref<4x8x512xf32, #tpu.memory_space<vmem>> -> memref<1x8x512xf32, #tpu.memory_space<vmem>>
    %dma_start3A_175 = tpu.memref_squeeze %dma_start3A_174 : memref<1x8x512xf32, #tpu.memory_space<vmem>> -> memref<8x512xf32, #tpu.memory_space<vmem>>
    %dma_start3A_176 = arith.constant 24 : i32
    %dma_start3A_177 = tpu.memref_slice %arg3[%dma_start3A_176, %mul3A_2] : memref<200x16384xf32, #tpu.memory_space<hbm>> -> memref<8x512xf32, #tpu.memory_space<hbm>>
    tpu.enqueue_dma source(%dma_start3A_177 : memref<8x512xf32, #tpu.memory_space<hbm>>) target(%dma_start3A_175 : memref<8x512xf32, #tpu.memory_space<vmem>>) target_semaphore(%dma_start3A_171 : memref<!tpu.dma_semaphore, #tpu.memory_space<semaphore_mem>>)
    %dma_start3A_178 = arith.constant 3 : i32
    %dma_start3A_179 = arith.constant 3 : i32
    %dma_start3A_180 = arith.constant 0 : i32
    %dma_start3A_181 = arith.constant 0 : i32
    %dma_start3A_182 = tpu.memref_slice %arg11[%dma_start3A_178, %dma_start3A_180, %dma_start3A_181] : memref<4x8x512xi32, #tpu.memory_space<vmem>> -> memref<1x8x512xi32, #tpu.memory_space<vmem>>
    %dma_start3A_183 = tpu.memref_squeeze %dma_start3A_182 : memref<1x8x512xi32, #tpu.memory_space<vmem>> -> memref<8x512xi32, #tpu.memory_space<vmem>>
    %dma_start3A_184 = arith.constant 24 : i32
    %dma_start3A_185 = tpu.memref_slice %arg4[%dma_start3A_184, %mul3A_2] : memref<200x16384xi32, #tpu.memory_space<hbm>> -> memref<8x512xi32, #tpu.memory_space<hbm>>
    %dma_start3A_186 = tpu.memref_slice %arg13[%dma_start3A_179] : memref<4x!tpu.dma_semaphore, #tpu.memory_space<semaphore_mem>> -> memref<1x!tpu.dma_semaphore, #tpu.memory_space<semaphore_mem>>
    %dma_start3A_187 = tpu.memref_squeeze %dma_start3A_186 : memref<1x!tpu.dma_semaphore, #tpu.memory_space<semaphore_mem>> -> memref<!tpu.dma_semaphore, #tpu.memory_space<semaphore_mem>>
    %dma_start3A_188 = arith.constant 0 : i32
    %dma_start3A_189 = arith.constant 0 : i32
    %dma_start3A_190 = tpu.memref_slice %arg11[%dma_start3A_178, %dma_start3A_188, %dma_start3A_189] : memref<4x8x512xi32, #tpu.memory_space<vmem>> -> memref<1x8x512xi32, #tpu.memory_space<vmem>>
    %dma_start3A_191 = tpu.memref_squeeze %dma_start3A_190 : memref<1x8x512xi32, #tpu.memory_space<vmem>> -> memref<8x512xi32, #tpu.memory_space<vmem>>
    %dma_start3A_192 = arith.constant 24 : i32
    %dma_start3A_193 = tpu.memref_slice %arg4[%dma_start3A_192, %mul3A_2] : memref<200x16384xi32, #tpu.memory_space<hbm>> -> memref<8x512xi32, #tpu.memory_space<hbm>>
    tpu.enqueue_dma source(%dma_start3A_193 : memref<8x512xi32, #tpu.memory_space<hbm>>) target(%dma_start3A_191 : memref<8x512xi32, #tpu.memory_space<vmem>>) target_semaphore(%dma_start3A_187 : memref<!tpu.dma_semaphore, #tpu.memory_space<semaphore_mem>>)
    "tpu.region"() ({
      %run_scoped3A = tpu.sem_alloc : memref<!tpu.dma_semaphore, #tpu.memory_space<semaphore_mem>>
      %dma_start3A_269 = arith.constant 0 : i32
      %dma_start3A_270 = tpu.memref_slice %arg7[%dma_start3A_269] : memref<16xf32, #tpu.memory_space<vmem>> -> memref<15xf32, #tpu.memory_space<vmem>>
      %dma_start3A_271 = arith.constant 0 : i32
      %dma_start3A_272 = tpu.memref_slice %arg7[%dma_start3A_271] : memref<16xf32, #tpu.memory_space<vmem>> -> memref<15xf32, #tpu.memory_space<vmem>>
      tpu.enqueue_dma source(%arg5 : memref<15xf32, #tpu.memory_space<hbm>>) target(%dma_start3A_272 : memref<15xf32, #tpu.memory_space<vmem>>) target_semaphore(%run_scoped3A : memref<!tpu.dma_semaphore, #tpu.memory_space<semaphore_mem>>)
      %dma_wait3A_273 = arith.constant 0 : i32
      %dma_wait3A_274 = tpu.memref_slice %arg7[%dma_wait3A_273] : memref<16xf32, #tpu.memory_space<vmem>> -> memref<15xf32, #tpu.memory_space<vmem>>
      %dma_wait3A_275 = arith.constant 0 : i32
      %dma_wait3A_276 = tpu.memref_slice %arg7[%dma_wait3A_275] : memref<16xf32, #tpu.memory_space<vmem>> -> memref<15xf32, #tpu.memory_space<vmem>>
      tpu.wait_dma2 semaphore(%run_scoped3A : memref<!tpu.dma_semaphore, #tpu.memory_space<semaphore_mem>>) src(%arg5 : memref<15xf32, #tpu.memory_space<hbm>>) dst(%dma_wait3A_276 : memref<15xf32, #tpu.memory_space<vmem>>)
      tpu.yield
    }) : () -> ()
    %get3A = arith.constant 0 : index
    %get3A_194 = tpu.vector_load %arg7[%get3A] {strides = array<i32>} : memref<16xf32, #tpu.memory_space<vmem>>, vector<16xf32>,
    %neg3A = arith.constant 0.000000e+00 : f32
    %neg3A_195 = vector.broadcast %neg3A : f32 to vector<16xf32>
    %neg3A_196 = arith.subf %neg3A_195, %get3A_194 : vector<16xf32>
    %exp3A = math.exp %neg3A_196 : vector<16xf32>
    %neg3A_197 = arith.constant 0.000000e+00 : f32
    %neg3A_198 = vector.broadcast %neg3A_197 : f32 to vector<16xf32>
    %neg3A_199 = arith.subf %neg3A_198, %exp3A : vector<16xf32>
    %swap3A = arith.constant 0 : index
    %swap3A_200 = tpu.vector_load %arg8[%swap3A] {strides = array<i32>} : memref<16xf32, #tpu.memory_space<vmem>>, vector<16xf32>,
    tpu.vector_store %arg8[%swap3A], %neg3A_199 {strides = array<i32>} : memref<16xf32, #tpu.memory_space<vmem>>, vector<16xf32>,
    %scan3A = arith.constant 0 : i32
    %scan3A_201 = arith.constant 0 : i32
    %scan3A_202 = arith.constant 25 : i32
    %scan3A_203 = arith.addi %scan3A_201, %scan3A_202 : i32
    %scan3A_204 = arith.constant 1 : i32
    scf.for %scan3A_269 = %scan3A_201 to %scan3A_203 step %scan3A_204  : i32 {
      %and3A = arith.constant 3 : i32
      %and3A_270 = arith.andi %scan3A_269, %and3A : i32
      %mul3A_271 = arith.constant 8 : i32
      %mul3A_272 = arith.muli %scan3A_269, %mul3A_271 : i32
      %dma_wait3A_273 = arith.constant 0 : i32
      %dma_wait3A_274 = arith.constant 0 : i32
      %dma_wait3A_275 = tpu.memref_slice %arg9[%and3A_270, %dma_wait3A_273, %dma_wait3A_274] : memref<4x8x512xf32, #tpu.memory_space<vmem>> -> memref<1x8x512xf32, #tpu.memory_space<vmem>>
      %dma_wait3A_276 = tpu.memref_squeeze %dma_wait3A_275 : memref<1x8x512xf32, #tpu.memory_space<vmem>> -> memref<8x512xf32, #tpu.memory_space<vmem>>
      %dma_wait3A_277 = tpu.memref_slice %arg2[%mul3A_272, %mul3A_2] : memref<200x16384xf32, #tpu.memory_space<hbm>> -> memref<8x512xf32, #tpu.memory_space<hbm>>
      %dma_wait3A_278 = tpu.memref_slice %arg13[%and3A_270] : memref<4x!tpu.dma_semaphore, #tpu.memory_space<semaphore_mem>> -> memref<1x!tpu.dma_semaphore, #tpu.memory_space<semaphore_mem>>
      %dma_wait3A_279 = tpu.memref_squeeze %dma_wait3A_278 : memref<1x!tpu.dma_semaphore, #tpu.memory_space<semaphore_mem>> -> memref<!tpu.dma_semaphore, #tpu.memory_space<semaphore_mem>>
      %dma_wait3A_280 = arith.constant 0 : i32
      %dma_wait3A_281 = arith.constant 0 : i32
      %dma_wait3A_282 = tpu.memref_slice %arg9[%and3A_270, %dma_wait3A_280, %dma_wait3A_281] : memref<4x8x512xf32, #tpu.memory_space<vmem>> -> memref<1x8x512xf32, #tpu.memory_space<vmem>>
      %dma_wait3A_283 = tpu.memref_squeeze %dma_wait3A_282 : memref<1x8x512xf32, #tpu.memory_space<vmem>> -> memref<8x512xf32, #tpu.memory_space<vmem>>
      %dma_wait3A_284 = tpu.memref_slice %arg2[%mul3A_272, %mul3A_2] : memref<200x16384xf32, #tpu.memory_space<hbm>> -> memref<8x512xf32, #tpu.memory_space<hbm>>
      tpu.wait_dma2 semaphore(%dma_wait3A_279 : memref<!tpu.dma_semaphore, #tpu.memory_space<semaphore_mem>>) src(%dma_wait3A_284 : memref<8x512xf32, #tpu.memory_space<hbm>>) dst(%dma_wait3A_283 : memref<8x512xf32, #tpu.memory_space<vmem>>)
      %dma_wait3A_285 = arith.constant 0 : i32
      %dma_wait3A_286 = arith.constant 0 : i32
      %dma_wait3A_287 = tpu.memref_slice %arg10[%and3A_270, %dma_wait3A_285, %dma_wait3A_286] : memref<4x8x512xf32, #tpu.memory_space<vmem>> -> memref<1x8x512xf32, #tpu.memory_space<vmem>>
      %dma_wait3A_288 = tpu.memref_squeeze %dma_wait3A_287 : memref<1x8x512xf32, #tpu.memory_space<vmem>> -> memref<8x512xf32, #tpu.memory_space<vmem>>
      %dma_wait3A_289 = tpu.memref_slice %arg3[%mul3A_272, %mul3A_2] : memref<200x16384xf32, #tpu.memory_space<hbm>> -> memref<8x512xf32, #tpu.memory_space<hbm>>
      %dma_wait3A_290 = tpu.memref_slice %arg13[%and3A_270] : memref<4x!tpu.dma_semaphore, #tpu.memory_space<semaphore_mem>> -> memref<1x!tpu.dma_semaphore, #tpu.memory_space<semaphore_mem>>
      %dma_wait3A_291 = tpu.memref_squeeze %dma_wait3A_290 : memref<1x!tpu.dma_semaphore, #tpu.memory_space<semaphore_mem>> -> memref<!tpu.dma_semaphore, #tpu.memory_space<semaphore_mem>>
      %dma_wait3A_292 = arith.constant 0 : i32
      %dma_wait3A_293 = arith.constant 0 : i32
      %dma_wait3A_294 = tpu.memref_slice %arg10[%and3A_270, %dma_wait3A_292, %dma_wait3A_293] : memref<4x8x512xf32, #tpu.memory_space<vmem>> -> memref<1x8x512xf32, #tpu.memory_space<vmem>>
      %dma_wait3A_295 = tpu.memref_squeeze %dma_wait3A_294 : memref<1x8x512xf32, #tpu.memory_space<vmem>> -> memref<8x512xf32, #tpu.memory_space<vmem>>
      %dma_wait3A_296 = tpu.memref_slice %arg3[%mul3A_272, %mul3A_2] : memref<200x16384xf32, #tpu.memory_space<hbm>> -> memref<8x512xf32, #tpu.memory_space<hbm>>
      tpu.wait_dma2 semaphore(%dma_wait3A_291 : memref<!tpu.dma_semaphore, #tpu.memory_space<semaphore_mem>>) src(%dma_wait3A_296 : memref<8x512xf32, #tpu.memory_space<hbm>>) dst(%dma_wait3A_295 : memref<8x512xf32, #tpu.memory_space<vmem>>)
      %dma_wait3A_297 = arith.constant 0 : i32
      %dma_wait3A_298 = arith.constant 0 : i32
      %dma_wait3A_299 = tpu.memref_slice %arg11[%and3A_270, %dma_wait3A_297, %dma_wait3A_298] : memref<4x8x512xi32, #tpu.memory_space<vmem>> -> memref<1x8x512xi32, #tpu.memory_space<vmem>>
      %dma_wait3A_300 = tpu.memref_squeeze %dma_wait3A_299 : memref<1x8x512xi32, #tpu.memory_space<vmem>> -> memref<8x512xi32, #tpu.memory_space<vmem>>
      %dma_wait3A_301 = tpu.memref_slice %arg4[%mul3A_272, %mul3A_2] : memref<200x16384xi32, #tpu.memory_space<hbm>> -> memref<8x512xi32, #tpu.memory_space<hbm>>
      %dma_wait3A_302 = tpu.memref_slice %arg13[%and3A_270] : memref<4x!tpu.dma_semaphore, #tpu.memory_space<semaphore_mem>> -> memref<1x!tpu.dma_semaphore, #tpu.memory_space<semaphore_mem>>
      %dma_wait3A_303 = tpu.memref_squeeze %dma_wait3A_302 : memref<1x!tpu.dma_semaphore, #tpu.memory_space<semaphore_mem>> -> memref<!tpu.dma_semaphore, #tpu.memory_space<semaphore_mem>>
      %dma_wait3A_304 = arith.constant 0 : i32
      %dma_wait3A_305 = arith.constant 0 : i32
      %dma_wait3A_306 = tpu.memref_slice %arg11[%and3A_270, %dma_wait3A_304, %dma_wait3A_305] : memref<4x8x512xi32, #tpu.memory_space<vmem>> -> memref<1x8x512xi32, #tpu.memory_space<vmem>>
      %dma_wait3A_307 = tpu.memref_squeeze %dma_wait3A_306 : memref<1x8x512xi32, #tpu.memory_space<vmem>> -> memref<8x512xi32, #tpu.memory_space<vmem>>
      %dma_wait3A_308 = tpu.memref_slice %arg4[%mul3A_272, %mul3A_2] : memref<200x16384xi32, #tpu.memory_space<hbm>> -> memref<8x512xi32, #tpu.memory_space<hbm>>
      tpu.wait_dma2 semaphore(%dma_wait3A_303 : memref<!tpu.dma_semaphore, #tpu.memory_space<semaphore_mem>>) src(%dma_wait3A_308 : memref<8x512xi32, #tpu.memory_space<hbm>>) dst(%dma_wait3A_307 : memref<8x512xi32, #tpu.memory_space<vmem>>)
      %ge3A = arith.constant 4 : i32
      %ge3A_309 = arith.cmpi sge, %scan3A_269, %ge3A : i32
      %convert_element_type3A = arith.extui %ge3A_309 : i1 to i32
      %cond3A = arith.constant 0 : i32
      %cond3A_310 = arith.cmpi ne, %convert_element_type3A, %cond3A : i32
      scf.if %cond3A_310 {
        %sub3A = arith.constant 4 : i32
        %sub3A_333 = arith.subi %scan3A_269, %sub3A : i32
        %mul3A_334 = arith.constant 8 : i32
        %mul3A_335 = arith.muli %sub3A_333, %mul3A_334 : i32
        %dma_wait3A_336 = arith.constant 0 : i32
        %dma_wait3A_337 = arith.constant 0 : i32
        %dma_wait3A_338 = tpu.memref_slice %arg12[%and3A_270, %dma_wait3A_336, %dma_wait3A_337] : memref<4x8x512xf32, #tpu.memory_space<vmem>> -> memref<1x8x512xf32, #tpu.memory_space<vmem>>
        %dma_wait3A_339 = tpu.memref_squeeze %dma_wait3A_338 : memref<1x8x512xf32, #tpu.memory_space<vmem>> -> memref<8x512xf32, #tpu.memory_space<vmem>>
        %dma_wait3A_340 = tpu.memref_slice %arg6[%mul3A_335, %mul3A_2] : memref<200x16384xf32, #tpu.memory_space<hbm>> -> memref<8x512xf32, #tpu.memory_space<hbm>>
        %dma_wait3A_341 = tpu.memref_slice %arg14[%and3A_270] : memref<4x!tpu.dma_semaphore, #tpu.memory_space<semaphore_mem>> -> memref<1x!tpu.dma_semaphore, #tpu.memory_space<semaphore_mem>>
        %dma_wait3A_342 = tpu.memref_squeeze %dma_wait3A_341 : memref<1x!tpu.dma_semaphore, #tpu.memory_space<semaphore_mem>> -> memref<!tpu.dma_semaphore, #tpu.memory_space<semaphore_mem>>
        %dma_wait3A_343 = tpu.memref_slice %arg6[%mul3A_335, %mul3A_2] : memref<200x16384xf32, #tpu.memory_space<hbm>> -> memref<8x512xf32, #tpu.memory_space<hbm>>
        %dma_wait3A_344 = arith.constant 0 : i32
        %dma_wait3A_345 = arith.constant 0 : i32
        %dma_wait3A_346 = tpu.memref_slice %arg12[%and3A_270, %dma_wait3A_344, %dma_wait3A_345] : memref<4x8x512xf32, #tpu.memory_space<vmem>> -> memref<1x8x512xf32, #tpu.memory_space<vmem>>
        %dma_wait3A_347 = tpu.memref_squeeze %dma_wait3A_346 : memref<1x8x512xf32, #tpu.memory_space<vmem>> -> memref<8x512xf32, #tpu.memory_space<vmem>>
        tpu.wait_dma2 semaphore(%dma_wait3A_342 : memref<!tpu.dma_semaphore, #tpu.memory_space<semaphore_mem>>) src(%dma_wait3A_347 : memref<8x512xf32, #tpu.memory_space<vmem>>) dst(%dma_wait3A_343 : memref<8x512xf32, #tpu.memory_space<hbm>>)
      } else {
      }
      %parallel_loop3A = arith.constant 0 : i32
      %parallel_loop3A_311 = arith.constant 4096 : i32
      %parallel_loop3A_312 = arith.constant 16 : i32
      scf.for %parallel_loop3A_333 = %parallel_loop3A to %parallel_loop3A_311 step %parallel_loop3A_312  : i32 {
        %parallel_loop3A_334 = arith.constant 9 : i32
        %parallel_loop3A_335 = arith.shrsi %parallel_loop3A_333, %parallel_loop3A_334 : i32
        %parallel_loop3A_336 = arith.constant 511 : i32
        %parallel_loop3A_337 = arith.andi %parallel_loop3A_333, %parallel_loop3A_336 : i32
        %parallel_loop3A_338 = arith.index_cast %and3A_270 : i32 to index
        %parallel_loop3A_339 = arith.index_cast %parallel_loop3A_335 : i32 to index
        %parallel_loop3A_340 = arith.index_cast %parallel_loop3A_337 : i32 to index
        %parallel_loop3A_341 = tpu.vector_load %arg11[%parallel_loop3A_338, %parallel_loop3A_339, %parallel_loop3A_340] {strides = array<i32>} : memref<4x8x512xi32, #tpu.memory_space<vmem>>, vector<16xi32>,
        %parallel_loop3A_342 = tpu.vector_load_idx %arg8[%parallel_loop3A_341] : memref<16xf32, #tpu.memory_space<vmem>>[vector<16xi32>], vector<16xf32>,
        %parallel_loop3A_343 = arith.index_cast %and3A_270 : i32 to index
        %parallel_loop3A_344 = arith.index_cast %parallel_loop3A_335 : i32 to index
        %parallel_loop3A_345 = arith.index_cast %parallel_loop3A_337 : i32 to index
        %parallel_loop3A_346 = tpu.vector_load %arg10[%parallel_loop3A_343, %parallel_loop3A_344, %parallel_loop3A_345] {strides = array<i32>} : memref<4x8x512xf32, #tpu.memory_space<vmem>>, vector<16xf32>,
        %parallel_loop3A_347 = arith.constant 5.12989855 : f32
        %parallel_loop3A_348 = vector.broadcast %parallel_loop3A_347 : f32 to vector<16xf32>
        %parallel_loop3A_349 = arith.mulf %parallel_loop3A_346, %parallel_loop3A_348 : vector<16xf32>
        %parallel_loop3A_350 = math.exp %parallel_loop3A_349 : vector<16xf32>
        %parallel_loop3A_351 = arith.index_cast %and3A_270 : i32 to index
        %parallel_loop3A_352 = arith.index_cast %parallel_loop3A_335 : i32 to index
        %parallel_loop3A_353 = arith.index_cast %parallel_loop3A_337 : i32 to index
        %parallel_loop3A_354 = tpu.vector_load %arg9[%parallel_loop3A_351, %parallel_loop3A_352, %parallel_loop3A_353] {strides = array<i32>} : memref<4x8x512xf32, #tpu.memory_space<vmem>>, vector<16xf32>,
        %parallel_loop3A_355 = arith.constant 1.000000e+00 : f32
        %parallel_loop3A_356 = vector.broadcast %parallel_loop3A_355 : f32 to vector<16xf32>
        %parallel_loop3A_357 = arith.subf %parallel_loop3A_356, %parallel_loop3A_354 : vector<16xf32>
        %parallel_loop3A_358 = arith.constant 1.000000e+00 : f32
        %parallel_loop3A_359 = vector.broadcast %parallel_loop3A_358 : f32 to vector<16xf32>
        %parallel_loop3A_360 = arith.subf %parallel_loop3A_350, %parallel_loop3A_359 : vector<16xf32>
        %parallel_loop3A_361 = arith.mulf %parallel_loop3A_360, %parallel_loop3A_342 : vector<16xf32>
        %parallel_loop3A_362 = math.exp %parallel_loop3A_361 : vector<16xf32>
        %parallel_loop3A_363 = arith.mulf %parallel_loop3A_357, %parallel_loop3A_362 : vector<16xf32>
        %parallel_loop3A_364 = arith.constant 1.000000e+00 : f32
        %parallel_loop3A_365 = vector.broadcast %parallel_loop3A_364 : f32 to vector<16xf32>
        %parallel_loop3A_366 = arith.subf %parallel_loop3A_365, %parallel_loop3A_363 : vector<16xf32>
        %parallel_loop3A_367 = arith.index_cast %and3A_270 : i32 to index
        %parallel_loop3A_368 = arith.index_cast %parallel_loop3A_335 : i32 to index
        %parallel_loop3A_369 = arith.index_cast %parallel_loop3A_337 : i32 to index
        %parallel_loop3A_370 = tpu.vector_load %arg12[%parallel_loop3A_367, %parallel_loop3A_368, %parallel_loop3A_369] {strides = array<i32>} : memref<4x8x512xf32, #tpu.memory_space<vmem>>, vector<16xf32>,
        tpu.vector_store %arg12[%parallel_loop3A_367, %parallel_loop3A_368, %parallel_loop3A_369], %parallel_loop3A_366 {strides = array<i32>} : memref<4x8x512xf32, #tpu.memory_space<vmem>>, vector<16xf32>,
      } {sc.loop_unroll_factor = 8 : i64, sc.parallel_access}
      %mul3A_313 = arith.constant 8 : i32
      %mul3A_314 = arith.muli %scan3A_269, %mul3A_313 : i32
      %dma_start3A_315 = arith.constant 0 : i32
      %dma_start3A_316 = arith.constant 0 : i32
      %dma_start3A_317 = tpu.memref_slice %arg12[%and3A_270, %dma_start3A_315, %dma_start3A_316] : memref<4x8x512xf32, #tpu.memory_space<vmem>> -> memref<1x8x512xf32, #tpu.memory_space<vmem>>
      %dma_start3A_318 = tpu.memref_squeeze %dma_start3A_317 : memref<1x8x512xf32, #tpu.memory_space<vmem>> -> memref<8x512xf32, #tpu.memory_space<vmem>>
      %dma_start3A_319 = tpu.memref_slice %arg6[%mul3A_314, %mul3A_2] : memref<200x16384xf32, #tpu.memory_space<hbm>> -> memref<8x512xf32, #tpu.memory_space<hbm>>
      %dma_start3A_320 = tpu.memref_slice %arg14[%and3A_270] : memref<4x!tpu.dma_semaphore, #tpu.memory_space<semaphore_mem>> -> memref<1x!tpu.dma_semaphore, #tpu.memory_space<semaphore_mem>>
      %dma_start3A_321 = tpu.memref_squeeze %dma_start3A_320 : memref<1x!tpu.dma_semaphore, #tpu.memory_space<semaphore_mem>> -> memref<!tpu.dma_semaphore, #tpu.memory_space<semaphore_mem>>
      %dma_start3A_322 = tpu.memref_slice %arg6[%mul3A_314, %mul3A_2] : memref<200x16384xf32, #tpu.memory_space<hbm>> -> memref<8x512xf32, #tpu.memory_space<hbm>>
      %dma_start3A_323 = arith.constant 0 : i32
      %dma_start3A_324 = arith.constant 0 : i32
      %dma_start3A_325 = tpu.memref_slice %arg12[%and3A_270, %dma_start3A_323, %dma_start3A_324] : memref<4x8x512xf32, #tpu.memory_space<vmem>> -> memref<1x8x512xf32, #tpu.memory_space<vmem>>
      %dma_start3A_326 = tpu.memref_squeeze %dma_start3A_325 : memref<1x8x512xf32, #tpu.memory_space<vmem>> -> memref<8x512xf32, #tpu.memory_space<vmem>>
      tpu.enqueue_dma source(%dma_start3A_326 : memref<8x512xf32, #tpu.memory_space<vmem>>) target(%dma_start3A_322 : memref<8x512xf32, #tpu.memory_space<hbm>>) target_semaphore(%dma_start3A_321 : memref<!tpu.dma_semaphore, #tpu.memory_space<semaphore_mem>>)
      %add3A_327 = arith.constant 4 : i32
      %add3A_328 = arith.addi %scan3A_269, %add3A_327 : i32
      %lt3A = arith.constant 25 : i32
      %lt3A_329 = arith.cmpi slt, %add3A_328, %lt3A : i32
      %convert_element_type3A_330 = arith.extui %lt3A_329 : i1 to i32
      %cond3A_331 = arith.constant 0 : i32
      %cond3A_332 = arith.cmpi ne, %convert_element_type3A_330, %cond3A_331 : i32
      scf.if %cond3A_332 {
        %add3A_333 = arith.constant 4 : i32
        %add3A_334 = arith.addi %scan3A_269, %add3A_333 : i32
        %mul3A_335 = arith.constant 8 : i32
        %mul3A_336 = arith.muli %add3A_334, %mul3A_335 : i32
        %dma_start3A_337 = arith.constant 0 : i32
        %dma_start3A_338 = arith.constant 0 : i32
        %dma_start3A_339 = tpu.memref_slice %arg9[%and3A_270, %dma_start3A_337, %dma_start3A_338] : memref<4x8x512xf32, #tpu.memory_space<vmem>> -> memref<1x8x512xf32, #tpu.memory_space<vmem>>
        %dma_start3A_340 = tpu.memref_squeeze %dma_start3A_339 : memref<1x8x512xf32, #tpu.memory_space<vmem>> -> memref<8x512xf32, #tpu.memory_space<vmem>>
        %dma_start3A_341 = tpu.memref_slice %arg2[%mul3A_336, %mul3A_2] : memref<200x16384xf32, #tpu.memory_space<hbm>> -> memref<8x512xf32, #tpu.memory_space<hbm>>
        %dma_start3A_342 = tpu.memref_slice %arg13[%and3A_270] : memref<4x!tpu.dma_semaphore, #tpu.memory_space<semaphore_mem>> -> memref<1x!tpu.dma_semaphore, #tpu.memory_space<semaphore_mem>>
        %dma_start3A_343 = tpu.memref_squeeze %dma_start3A_342 : memref<1x!tpu.dma_semaphore, #tpu.memory_space<semaphore_mem>> -> memref<!tpu.dma_semaphore, #tpu.memory_space<semaphore_mem>>
        %dma_start3A_344 = arith.constant 0 : i32
        %dma_start3A_345 = arith.constant 0 : i32
        %dma_start3A_346 = tpu.memref_slice %arg9[%and3A_270, %dma_start3A_344, %dma_start3A_345] : memref<4x8x512xf32, #tpu.memory_space<vmem>> -> memref<1x8x512xf32, #tpu.memory_space<vmem>>
        %dma_start3A_347 = tpu.memref_squeeze %dma_start3A_346 : memref<1x8x512xf32, #tpu.memory_space<vmem>> -> memref<8x512xf32, #tpu.memory_space<vmem>>
        %dma_start3A_348 = tpu.memref_slice %arg2[%mul3A_336, %mul3A_2] : memref<200x16384xf32, #tpu.memory_space<hbm>> -> memref<8x512xf32, #tpu.memory_space<hbm>>
        tpu.enqueue_dma source(%dma_start3A_348 : memref<8x512xf32, #tpu.memory_space<hbm>>) target(%dma_start3A_347 : memref<8x512xf32, #tpu.memory_space<vmem>>) target_semaphore(%dma_start3A_343 : memref<!tpu.dma_semaphore, #tpu.memory_space<semaphore_mem>>)
        %dma_start3A_349 = arith.constant 0 : i32
        %dma_start3A_350 = arith.constant 0 : i32
        %dma_start3A_351 = tpu.memref_slice %arg10[%and3A_270, %dma_start3A_349, %dma_start3A_350] : memref<4x8x512xf32, #tpu.memory_space<vmem>> -> memref<1x8x512xf32, #tpu.memory_space<vmem>>
        %dma_start3A_352 = tpu.memref_squeeze %dma_start3A_351 : memref<1x8x512xf32, #tpu.memory_space<vmem>> -> memref<8x512xf32, #tpu.memory_space<vmem>>
        %dma_start3A_353 = tpu.memref_slice %arg3[%mul3A_336, %mul3A_2] : memref<200x16384xf32, #tpu.memory_space<hbm>> -> memref<8x512xf32, #tpu.memory_space<hbm>>
        %dma_start3A_354 = tpu.memref_slice %arg13[%and3A_270] : memref<4x!tpu.dma_semaphore, #tpu.memory_space<semaphore_mem>> -> memref<1x!tpu.dma_semaphore, #tpu.memory_space<semaphore_mem>>
        %dma_start3A_355 = tpu.memref_squeeze %dma_start3A_354 : memref<1x!tpu.dma_semaphore, #tpu.memory_space<semaphore_mem>> -> memref<!tpu.dma_semaphore, #tpu.memory_space<semaphore_mem>>
        %dma_start3A_356 = arith.constant 0 : i32
        %dma_start3A_357 = arith.constant 0 : i32
        %dma_start3A_358 = tpu.memref_slice %arg10[%and3A_270, %dma_start3A_356, %dma_start3A_357] : memref<4x8x512xf32, #tpu.memory_space<vmem>> -> memref<1x8x512xf32, #tpu.memory_space<vmem>>
        %dma_start3A_359 = tpu.memref_squeeze %dma_start3A_358 : memref<1x8x512xf32, #tpu.memory_space<vmem>> -> memref<8x512xf32, #tpu.memory_space<vmem>>
        %dma_start3A_360 = tpu.memref_slice %arg3[%mul3A_336, %mul3A_2] : memref<200x16384xf32, #tpu.memory_space<hbm>> -> memref<8x512xf32, #tpu.memory_space<hbm>>
        tpu.enqueue_dma source(%dma_start3A_360 : memref<8x512xf32, #tpu.memory_space<hbm>>) target(%dma_start3A_359 : memref<8x512xf32, #tpu.memory_space<vmem>>) target_semaphore(%dma_start3A_355 : memref<!tpu.dma_semaphore, #tpu.memory_space<semaphore_mem>>)
        %dma_start3A_361 = arith.constant 0 : i32
        %dma_start3A_362 = arith.constant 0 : i32
        %dma_start3A_363 = tpu.memref_slice %arg11[%and3A_270, %dma_start3A_361, %dma_start3A_362] : memref<4x8x512xi32, #tpu.memory_space<vmem>> -> memref<1x8x512xi32, #tpu.memory_space<vmem>>
        %dma_start3A_364 = tpu.memref_squeeze %dma_start3A_363 : memref<1x8x512xi32, #tpu.memory_space<vmem>> -> memref<8x512xi32, #tpu.memory_space<vmem>>
        %dma_start3A_365 = tpu.memref_slice %arg4[%mul3A_336, %mul3A_2] : memref<200x16384xi32, #tpu.memory_space<hbm>> -> memref<8x512xi32, #tpu.memory_space<hbm>>
        %dma_start3A_366 = tpu.memref_slice %arg13[%and3A_270] : memref<4x!tpu.dma_semaphore, #tpu.memory_space<semaphore_mem>> -> memref<1x!tpu.dma_semaphore, #tpu.memory_space<semaphore_mem>>
        %dma_start3A_367 = tpu.memref_squeeze %dma_start3A_366 : memref<1x!tpu.dma_semaphore, #tpu.memory_space<semaphore_mem>> -> memref<!tpu.dma_semaphore, #tpu.memory_space<semaphore_mem>>
        %dma_start3A_368 = arith.constant 0 : i32
        %dma_start3A_369 = arith.constant 0 : i32
        %dma_start3A_370 = tpu.memref_slice %arg11[%and3A_270, %dma_start3A_368, %dma_start3A_369] : memref<4x8x512xi32, #tpu.memory_space<vmem>> -> memref<1x8x512xi32, #tpu.memory_space<vmem>>
        %dma_start3A_371 = tpu.memref_squeeze %dma_start3A_370 : memref<1x8x512xi32, #tpu.memory_space<vmem>> -> memref<8x512xi32, #tpu.memory_space<vmem>>
        %dma_start3A_372 = tpu.memref_slice %arg4[%mul3A_336, %mul3A_2] : memref<200x16384xi32, #tpu.memory_space<hbm>> -> memref<8x512xi32, #tpu.memory_space<hbm>>
        tpu.enqueue_dma source(%dma_start3A_372 : memref<8x512xi32, #tpu.memory_space<hbm>>) target(%dma_start3A_371 : memref<8x512xi32, #tpu.memory_space<vmem>>) target_semaphore(%dma_start3A_367 : memref<!tpu.dma_semaphore, #tpu.memory_space<semaphore_mem>>)
      } else {
      }
    }
    %scan3A_205 = arith.constant 25 : i32
    %dma_wait3A = arith.constant 1 : i32
    %dma_wait3A_206 = arith.constant 1 : i32
    %dma_wait3A_207 = arith.constant 0 : i32
    %dma_wait3A_208 = arith.constant 0 : i32
    %dma_wait3A_209 = tpu.memref_slice %arg12[%dma_wait3A, %dma_wait3A_207, %dma_wait3A_208] : memref<4x8x512xf32, #tpu.memory_space<vmem>> -> memref<1x8x512xf32, #tpu.memory_space<vmem>>
    %dma_wait3A_210 = tpu.memref_squeeze %dma_wait3A_209 : memref<1x8x512xf32, #tpu.memory_space<vmem>> -> memref<8x512xf32, #tpu.memory_space<vmem>>
    %dma_wait3A_211 = arith.constant 168 : i32
    %dma_wait3A_212 = tpu.memref_slice %arg6[%dma_wait3A_211, %mul3A_2] : memref<200x16384xf32, #tpu.memory_space<hbm>> -> memref<8x512xf32, #tpu.memory_space<hbm>>
    %dma_wait3A_213 = tpu.memref_slice %arg14[%dma_wait3A_206] : memref<4x!tpu.dma_semaphore, #tpu.memory_space<semaphore_mem>> -> memref<1x!tpu.dma_semaphore, #tpu.memory_space<semaphore_mem>>
    %dma_wait3A_214 = tpu.memref_squeeze %dma_wait3A_213 : memref<1x!tpu.dma_semaphore, #tpu.memory_space<semaphore_mem>> -> memref<!tpu.dma_semaphore, #tpu.memory_space<semaphore_mem>>
    %dma_wait3A_215 = arith.constant 168 : i32
    %dma_wait3A_216 = tpu.memref_slice %arg6[%dma_wait3A_215, %mul3A_2] : memref<200x16384xf32, #tpu.memory_space<hbm>> -> memref<8x512xf32, #tpu.memory_space<hbm>>
    %dma_wait3A_217 = arith.constant 0 : i32
    %dma_wait3A_218 = arith.constant 0 : i32
    %dma_wait3A_219 = tpu.memref_slice %arg12[%dma_wait3A, %dma_wait3A_217, %dma_wait3A_218] : memref<4x8x512xf32, #tpu.memory_space<vmem>> -> memref<1x8x512xf32, #tpu.memory_space<vmem>>
    %dma_wait3A_220 = tpu.memref_squeeze %dma_wait3A_219 : memref<1x8x512xf32, #tpu.memory_space<vmem>> -> memref<8x512xf32, #tpu.memory_space<vmem>>
    tpu.wait_dma2 semaphore(%dma_wait3A_214 : memref<!tpu.dma_semaphore, #tpu.memory_space<semaphore_mem>>) src(%dma_wait3A_220 : memref<8x512xf32, #tpu.memory_space<vmem>>) dst(%dma_wait3A_216 : memref<8x512xf32, #tpu.memory_space<hbm>>)
    %dma_wait3A_221 = arith.constant 2 : i32
    %dma_wait3A_222 = arith.constant 2 : i32
    %dma_wait3A_223 = arith.constant 0 : i32
    %dma_wait3A_224 = arith.constant 0 : i32
    %dma_wait3A_225 = tpu.memref_slice %arg12[%dma_wait3A_221, %dma_wait3A_223, %dma_wait3A_224] : memref<4x8x512xf32, #tpu.memory_space<vmem>> -> memref<1x8x512xf32, #tpu.memory_space<vmem>>
    %dma_wait3A_226 = tpu.memref_squeeze %dma_wait3A_225 : memref<1x8x512xf32, #tpu.memory_space<vmem>> -> memref<8x512xf32, #tpu.memory_space<vmem>>
    %dma_wait3A_227 = arith.constant 176 : i32
    %dma_wait3A_228 = tpu.memref_slice %arg6[%dma_wait3A_227, %mul3A_2] : memref<200x16384xf32, #tpu.memory_space<hbm>> -> memref<8x512xf32, #tpu.memory_space<hbm>>
    %dma_wait3A_229 = tpu.memref_slice %arg14[%dma_wait3A_222] : memref<4x!tpu.dma_semaphore, #tpu.memory_space<semaphore_mem>> -> memref<1x!tpu.dma_semaphore, #tpu.memory_space<semaphore_mem>>
    %dma_wait3A_230 = tpu.memref_squeeze %dma_wait3A_229 : memref<1x!tpu.dma_semaphore, #tpu.memory_space<semaphore_mem>> -> memref<!tpu.dma_semaphore, #tpu.memory_space<semaphore_mem>>
    %dma_wait3A_231 = arith.constant 176 : i32
    %dma_wait3A_232 = tpu.memref_slice %arg6[%dma_wait3A_231, %mul3A_2] : memref<200x16384xf32, #tpu.memory_space<hbm>> -> memref<8x512xf32, #tpu.memory_space<hbm>>
    %dma_wait3A_233 = arith.constant 0 : i32
    %dma_wait3A_234 = arith.constant 0 : i32
    %dma_wait3A_235 = tpu.memref_slice %arg12[%dma_wait3A_221, %dma_wait3A_233, %dma_wait3A_234] : memref<4x8x512xf32, #tpu.memory_space<vmem>> -> memref<1x8x512xf32, #tpu.memory_space<vmem>>
    %dma_wait3A_236 = tpu.memref_squeeze %dma_wait3A_235 : memref<1x8x512xf32, #tpu.memory_space<vmem>> -> memref<8x512xf32, #tpu.memory_space<vmem>>
    tpu.wait_dma2 semaphore(%dma_wait3A_230 : memref<!tpu.dma_semaphore, #tpu.memory_space<semaphore_mem>>) src(%dma_wait3A_236 : memref<8x512xf32, #tpu.memory_space<vmem>>) dst(%dma_wait3A_232 : memref<8x512xf32, #tpu.memory_space<hbm>>)
    %dma_wait3A_237 = arith.constant 3 : i32
    %dma_wait3A_238 = arith.constant 3 : i32
    %dma_wait3A_239 = arith.constant 0 : i32
    %dma_wait3A_240 = arith.constant 0 : i32
    %dma_wait3A_241 = tpu.memref_slice %arg12[%dma_wait3A_237, %dma_wait3A_239, %dma_wait3A_240] : memref<4x8x512xf32, #tpu.memory_space<vmem>> -> memref<1x8x512xf32, #tpu.memory_space<vmem>>
    %dma_wait3A_242 = tpu.memref_squeeze %dma_wait3A_241 : memref<1x8x512xf32, #tpu.memory_space<vmem>> -> memref<8x512xf32, #tpu.memory_space<vmem>>
    %dma_wait3A_243 = arith.constant 184 : i32
    %dma_wait3A_244 = tpu.memref_slice %arg6[%dma_wait3A_243, %mul3A_2] : memref<200x16384xf32, #tpu.memory_space<hbm>> -> memref<8x512xf32, #tpu.memory_space<hbm>>
    %dma_wait3A_245 = tpu.memref_slice %arg14[%dma_wait3A_238] : memref<4x!tpu.dma_semaphore, #tpu.memory_space<semaphore_mem>> -> memref<1x!tpu.dma_semaphore, #tpu.memory_space<semaphore_mem>>
    %dma_wait3A_246 = tpu.memref_squeeze %dma_wait3A_245 : memref<1x!tpu.dma_semaphore, #tpu.memory_space<semaphore_mem>> -> memref<!tpu.dma_semaphore, #tpu.memory_space<semaphore_mem>>
    %dma_wait3A_247 = arith.constant 184 : i32
    %dma_wait3A_248 = tpu.memref_slice %arg6[%dma_wait3A_247, %mul3A_2] : memref<200x16384xf32, #tpu.memory_space<hbm>> -> memref<8x512xf32, #tpu.memory_space<hbm>>
    %dma_wait3A_249 = arith.constant 0 : i32
    %dma_wait3A_250 = arith.constant 0 : i32
    %dma_wait3A_251 = tpu.memref_slice %arg12[%dma_wait3A_237, %dma_wait3A_249, %dma_wait3A_250] : memref<4x8x512xf32, #tpu.memory_space<vmem>> -> memref<1x8x512xf32, #tpu.memory_space<vmem>>
    %dma_wait3A_252 = tpu.memref_squeeze %dma_wait3A_251 : memref<1x8x512xf32, #tpu.memory_space<vmem>> -> memref<8x512xf32, #tpu.memory_space<vmem>>
    tpu.wait_dma2 semaphore(%dma_wait3A_246 : memref<!tpu.dma_semaphore, #tpu.memory_space<semaphore_mem>>) src(%dma_wait3A_252 : memref<8x512xf32, #tpu.memory_space<vmem>>) dst(%dma_wait3A_248 : memref<8x512xf32, #tpu.memory_space<hbm>>)
    %dma_wait3A_253 = arith.constant 0 : i32
    %dma_wait3A_254 = arith.constant 0 : i32
    %dma_wait3A_255 = arith.constant 0 : i32
    %dma_wait3A_256 = arith.constant 0 : i32
    %dma_wait3A_257 = tpu.memref_slice %arg12[%dma_wait3A_253, %dma_wait3A_255, %dma_wait3A_256] : memref<4x8x512xf32, #tpu.memory_space<vmem>> -> memref<1x8x512xf32, #tpu.memory_space<vmem>>
    %dma_wait3A_258 = tpu.memref_squeeze %dma_wait3A_257 : memref<1x8x512xf32, #tpu.memory_space<vmem>> -> memref<8x512xf32, #tpu.memory_space<vmem>>
    %dma_wait3A_259 = arith.constant 192 : i32
    %dma_wait3A_260 = tpu.memref_slice %arg6[%dma_wait3A_259, %mul3A_2] : memref<200x16384xf32, #tpu.memory_space<hbm>> -> memref<8x512xf32, #tpu.memory_space<hbm>>
    %dma_wait3A_261 = tpu.memref_slice %arg14[%dma_wait3A_254] : memref<4x!tpu.dma_semaphore, #tpu.memory_space<semaphore_mem>> -> memref<1x!tpu.dma_semaphore, #tpu.memory_space<semaphore_mem>>
    %dma_wait3A_262 = tpu.memref_squeeze %dma_wait3A_261 : memref<1x!tpu.dma_semaphore, #tpu.memory_space<semaphore_mem>> -> memref<!tpu.dma_semaphore, #tpu.memory_space<semaphore_mem>>
    %dma_wait3A_263 = arith.constant 192 : i32
    %dma_wait3A_264 = tpu.memref_slice %arg6[%dma_wait3A_263, %mul3A_2] : memref<200x16384xf32, #tpu.memory_space<hbm>> -> memref<8x512xf32, #tpu.memory_space<hbm>>
    %dma_wait3A_265 = arith.constant 0 : i32
    %dma_wait3A_266 = arith.constant 0 : i32
    %dma_wait3A_267 = tpu.memref_slice %arg12[%dma_wait3A_253, %dma_wait3A_265, %dma_wait3A_266] : memref<4x8x512xf32, #tpu.memory_space<vmem>> -> memref<1x8x512xf32, #tpu.memory_space<vmem>>
    %dma_wait3A_268 = tpu.memref_squeeze %dma_wait3A_267 : memref<1x8x512xf32, #tpu.memory_space<vmem>> -> memref<8x512xf32, #tpu.memory_space<vmem>>
    tpu.wait_dma2 semaphore(%dma_wait3A_262 : memref<!tpu.dma_semaphore, #tpu.memory_space<semaphore_mem>>) src(%dma_wait3A_268 : memref<8x512xf32, #tpu.memory_space<vmem>>) dst(%dma_wait3A_264 : memref<8x512xf32, #tpu.memory_space<hbm>>)
    return
  }
}

</mosaic_0001>

<sc_bundles>
// kernel: kernel.3.cloned.1.call-start
scs
__scs_entry_jumppad:
0x0: {  	(pc) =	sbr.rel $0x88, $3  }
0x1: {  	(tag) =	ssettag $0x0;
	lr =	simm.s32 $0x1  }
0x2: {  	[smem:$0x3F9D] =	sst lr;
	_ =	strace $0xD0000000  }
0x3: {  	_ = 	snop  }
0x4: {  	_ = 	snop  }
0x5: {  	_ = 	snop  }
0x6: {  	_ = 	snop  }
0x7: {  	_ = 	snop  }
__scs_overlays_trampoline_lowered:
0x8: {  	[smem:$0x3FAC] =	sst s0  }
0x9: {  	[smem:$0x3FAD] =	sst s1  }
0xa: {  	[smem:$0x3FAE] =	sst s2  }
0xb: {  	[smem:$0x3FAF] =	sst s3  }
0xc: {  	[smem:$0x3FB0] =	sst s4  }
0xd: {  	[smem:$0x3FB1] =	sst s5  }
0xe: {  	[smem:$0x3FB2] =	sst s6  }
0xf: {  	[smem:$0x3FB3] =	sst s7  }
0x10: {  	[smem:$0x3FB4] =	sst s8  }
0x11: {  	[smem:$0x3FB5] =	sst s9;
	s0 =	simm.s32 @!p0 $0x0  }
0x12: {  	s1 =	sld [smem:$0x3F9B];
	s0 =	simm.s32 @p0 $0x1  }
0x13: {  	[smem:$0x3FB6] =	sst s0;
	s0 =	simm.s32 @!p1 $0x0  }
0x14: {  	s2 =	sld [smem:$0x3F9A];
	s0 =	simm.s32 @p1 $0x1  }
0x15: {  	[smem:$0x3FB7] =	sst s0;
	s0 =	simm.s32 @!p2 $0x0  }
0x16: {  	s3 =	sld [smem:$0x3FDB];
	s0 =	simm.s32 @p2 $0x1  }
0x17: {  	s4 =	simm.s32 $0x1BF5;
	[smem:$0x3FB9] =	sst s0  }
0x18: {  	s0 =	sld [smem:$0x3F9C];
	_ =	swait.ge [sflag:s4], $0x0  }
0x19: {  	s7 =	sld [smem:$0x3F9D]  }
0x1a: {  	s8 =	sadd.s32 $0xFFFFE003, lr  }
0x1b: {  	s9 =	sadd.s32 $0xFFFFFEF7, lr;
	s5 =	simm.s32 $0xFFFFFFFF;
	p2 =	slt.u32 s8, $0xFFFFF086  }
0x1c: {  	p1 =	slt.u32 s9, $0xF7A;
	s5 =	simm.s32 @!p2 $0x0  }
0x1d: {  	s5 =	simm.s32 @p1 $0x1;
	p0 =	seq.s32 s7, s2  }
0x1e: {  	s7 =	smul.u32 @!p0 $0xF7A, s2;
	p2 =	seq.s32 @!p0 s5, $0x0  }
0x1f: {  	s9 =	smul.u32 $0xF7A, s1;
	s8 =	simm.s32 @!p0 $0x1BF5;
	p2 =	por !p2, p0  }
0x20: {  	[sflag:s8] =	ssyncset.s32 @!p0 $0xFFFFF086;
	s6 =	sadd.s32 @!p0 s3, s7;
	s7 =	simm.s32 @!p0 $0x108  }
0x21: {  	s3 =	sadd.s32 s3, s9;
	s6 =	sadd.s32 @!p0 $0x88, s6;
	s7 =	simm.s32 @p2 $0x1082  }
0x22: {  	[simem:s7], [sflag:s8] =	dma.local @!p0 [hbm:s6], $0xF7A  }
0x23: {  	s9 =	sor.u32 $0xD0000000, s2;
	s6 =	simm.s32 $0x108;
	_ =	swait.ge @!p0 [sflag:s8], $0x0  }
0x24: {  	s3 =	sadd.s32 $0x88, s3;
	s6 =	simm.s32 @!p1 $0x1082;
	[sflag:s4] =	ssyncset.s32 $0xFFFFF086  }
0x25: {  	[simem:s6], [sflag:s4] =	dma.local [hbm:s3], $0xF7A  }
0x26: {  	[smem:$0x3F9D] =	sst s1;
	(tag) =	ssettag s2;
	_ =	strace s9  }
0x27: {  	s1 =	sld [smem:$0x3FAD]  }
0x28: {  	s2 =	sld [smem:$0x3FAE]  }
0x29: {  	s4 =	sld [smem:$0x3FB0]  }
0x2a: {  	p0 =	seq.s32 s5, $0x0;
	s5 =	sld [smem:$0x3FB1]  }
0x2b: {  	s6 =	sld [smem:$0x3FB2]  }
0x2c: {  	s7 =	sld [smem:$0x3FB3]  }
0x2d: {  	s3 =	simm.s32 $0x108;
	s8 =	sld [smem:$0x3FB4]  }
0x2e: {  	s3 =	simm.s32 @!p0 $0x1082;
	s9 =	sld [smem:$0x3FB5]  }
0x2f: {  	lr =	sadd.s32 s0, s3;
	s0 =	sld [smem:$0x3FAC]  }
0x30: {  	s3 =	sld [smem:$0x3FAF]  }
0x31: {  	[smem:$0x3FB8] =	sst s10  }
0x32: {  	s10 =	sld [smem:$0x3FB6];
	_ =	sdelay $0x3  }
0x33: {  	p0 =	seq.s32 s10, $0x1;
	s10 =	sld [smem:$0x3FB8];
	_ =	sdelay $0x3  }
0x34: {  	[smem:$0x3FB8] =	sst s10  }
0x35: {  	s10 =	sld [smem:$0x3FB7];
	_ =	sdelay $0x3  }
0x36: {  	p1 =	seq.s32 s10, $0x1;
	s10 =	sld [smem:$0x3FB8];
	_ =	sdelay $0x3  }
0x37: {  	[smem:$0x3FB8] =	sst s10  }
0x38: {  	s10 =	sld [smem:$0x3FB9]  }
0x39: {  	_ = 	snop;
	(pc) =	sbr.ind lr, $3  }
0x3a: {  	_ = 	snop  }
0x3b: {  	_ = 	snop  }
0x3c: {  	p2 =	seq.s32 s10, $0x1;
	s10 =	sld [smem:$0x3FB8]  }
0x3d: {  	_ =	shalt  }
0x3e: {  	_ =	shalt  }
0x3f: {  	_ =	shalt  }
0x40: {  	_ =	shalt  }
0x41: {  	_ =	shalt  }
0x42: {  	_ =	shalt  }
0x43: {  	_ =	shalt  }
0x44: {  	_ =	shalt  }
0x45: {  	_ =	shalt  }
0x46: {  	_ =	shalt  }
0x47: {  	_ =	shalt  }
0x48: {  	_ =	shalt  }
0x49: {  	_ =	shalt  }
0x4a: {  	_ =	shalt  }
0x4b: {  	_ =	shalt  }
0x4c: {  	_ =	shalt  }
0x4d: {  	_ =	shalt  }
0x4e: {  	_ =	shalt  }
0x4f: {  	_ =	shalt  }
0x50: {  	_ =	shalt  }
0x51: {  	_ =	shalt  }
0x52: {  	_ =	shalt  }
0x53: {  	_ =	shalt  }
0x54: {  	_ =	shalt  }
0x55: {  	_ =	shalt  }
0x56: {  	_ =	shalt  }
0x57: {  	_ =	shalt  }
0x58: {  	_ =	shalt  }
0x59: {  	_ =	shalt  }
0x5a: {  	_ =	shalt  }
0x5b: {  	_ =	shalt  }
0x5c: {  	_ =	shalt  }
0x5d: {  	_ =	shalt  }
0x5e: {  	_ =	shalt  }
0x5f: {  	_ =	shalt  }
0x60: {  	_ =	shalt  }
0x61: {  	_ =	shalt  }
0x62: {  	_ =	shalt  }
0x63: {  	_ =	shalt  }
0x64: {  	_ =	shalt  }
0x65: {  	_ =	shalt  }
0x66: {  	_ =	shalt  }
0x67: {  	_ =	shalt  }
0x68: {  	_ =	shalt  }
0x69: {  	_ =	shalt  }
0x6a: {  	_ =	shalt  }
0x6b: {  	_ =	shalt  }
0x6c: {  	_ =	shalt  }
0x6d: {  	_ =	shalt  }
0x6e: {  	_ =	shalt  }
0x6f: {  	_ =	shalt  }
0x70: {  	_ =	shalt  }
0x71: {  	_ =	shalt  }
0x72: {  	_ =	shalt  }
0x73: {  	_ =	shalt  }
0x74: {  	_ =	shalt  }
0x75: {  	_ =	shalt  }
0x76: {  	_ =	shalt  }
0x77: {  	_ =	shalt  }
0x78: {  	_ =	shalt  }
0x79: {  	_ =	shalt  }
0x7a: {  	_ =	shalt  }
0x7b: {  	_ =	shalt  }
0x7c: {  	_ =	shalt  }
0x7d: {  	_ =	shalt  }
0x7e: {  	_ =	shalt  }
0x7f: {  	_ =	shalt  }
0x80: {  	_ =	shalt  }
0x81: {  	_ =	shalt  }
0x82: {  	_ =	shalt  }
0x83: {  	_ =	shalt  }
0x84: {  	_ =	shalt  }
0x85: {  	_ =	shalt  }
0x86: {  	_ =	shalt  }
0x87: {  	_ =	shalt  }
.Lfunc_end0:
.L_simem_size_0:
called_computation_lowered:
.L_overlay_start_0:
0x88: {  	s2 =	sld [smem:$0x3FD9]  }
0x89: {  	s3 =	sld [smem:$0x3FFE];
	_ =	sdelay $0x1  }
0x8a: {  	s1 =	srdreg.scid  }
0x8b: {  	s0 =	sand.u32 $0x1, s1  }
0x8c: {  	s18 =	sshll.u32 s0, $0xA;
	s2 =	sadd.s32 s3, s2  }
0x8d: {  	s2 =	sadd.s32 s2, s18  }
0x8e: {  	[smem:$0x3FC4] =	sst s2  }
0x8f: {  	_ = 	snop  }
0x90: {  	s2 =	sld [smem:$0x3FC9]  }
0x91: {  	s19 =	sld [smem:$0x3FC8]  }
0x92: {  	s4 =	sld [smem:$0x3FC7]  }
0x93: {  	s5 =	sld [smem:$0x3FC6]  }
0x94: {  	s6 =	sld [smem:$0x3FD0];
	(tm) =	ssettm $0x1  }
0x95: {  	s7 =	sld [smem:$0x3FFB];
	_ =	sdelay $0x3  }
0x96: {  	_ =	strace s7  }
0x97: {  	s7 =	sld [smem:$0x3FFC];
	_ =	sdelay $0x3  }
0x98: {  	_ =	strace s7  }
0x99: {  	s7 =	sld [smem:$0x3FFD];
	_ =	sdelay $0x3  }
0x9a: {  	_ =	strace s7  }
0x9b: {  	_ =	strace $0x8FFFFFFF  }
0x9c: {  	s20 =	sld [smem:$0x3FDB];
	_ =	sdelay $0x1  }
0x9d: {  	s8 =	simm.s32 $_scs_section_size  }
0x9e: {  	s9 =	simm.s32 $_size__tile_overlayer_lowered;
	s10 =	simm.s32 $_tile_overlayer_lowered  }
0x9f: {  	s23 =	simm.s32 $0x1BFF;
	s22 =	sshll.u32 s10, $0x1;
	s7 =	sadd.s32 s8, s20  }
0xa0: {  	s11 =	simm.s32 $0x0;
	s21 =	sshll.u32 s9, $0x1;
	s9 =	sadd.s32 s22, s7  }
0xa1: {  	[timem:s11], [sflag:s23] =	dma.local [hbm:s9], s21  }
0xa2: {  	_ =	swait.ge [sflag:s23], s21  }
0xa3: {  	s8 =	ssub.s32 $0x0, s21;
	[sflag:s23] =	ssyncset.done $0x0  }
0xa4: {  	[sflag:s23] =	ssyncadd.s32 s8;
	_ =	sdelay $0x1  }
0xa5: {  	s24 =	simm.s32 $0x1B8B  }
0xa6: {  	_ =	swait.ge [sflag:s24], $0x1  }
0xa7: {  	[sflag:s24] =	ssyncset.done $0x0  }
0xa8: {  	s25 =	simm.s32 $0x1B8E;
	[sflag:s24] =	ssyncadd.s32 $0xFFFFFFFF  }
0xa9: {  	s26 =	simm.s32 $execute0_lowered;
	[smem:$0x3FD2] =	sst s25  }
0xaa: {  	s8 =	sshll.u32 s26, $0x1;
	_ =	strace $0x80000046;
	[dreg:$0x1] =	wrdreg $0xFFFFFFFF  }
0xab: {  	s28 =	simm.s32 $_size_execute0_lowered;
	s7 =	sadd.s32 s7, s8;
	[dreg:$0x0] =	wrdreg $0x0  }
0xac: {  	s8 =	sshll.u32 s28, $0x1;
	[dreg:$0x2] =	wrdreg s7  }
0xad: {  	[dreg:$0x3] =	wrdreg s8  }
0xae: {  	[dreg:$0x4] =	wrdreg $0xC0  }
0xaf: {  	_ =	task [dreg:s11], $0x5FFFF  }
0xb0: {  	[dreg:$0x1] =	wrdreg $0xFFFFFFFF  }
0xb1: {  	[dreg:$0x0] =	wrdreg $0x60  }
0xb2: {  	[dreg:$0x2] =	wrdreg s2  }
0xb3: {  	[dreg:$0x3] =	wrdreg s19  }
0xb4: {  	[dreg:$0x4] =	wrdreg s4  }
0xb5: {  	[dreg:$0x5] =	wrdreg s5  }
0xb6: {  	[dreg:$0x6] =	wrdreg s6  }
0xb7: {  	[dreg:$0x7] =	wrdreg $0x9  }
0xb8: {  	_ =	task.clear_ibuf [dreg:s11], $0x8FFFF;
	_ =	strace $0x90000046  }
0xb9: {  	s29 =	simm.s32 $0x9;
	_ =	strace $0x80000048  }
0xba: {  	_ =	swait.ge [sflag:s29], $0x1  }
0xbb: {  	[sflag:s29] =	ssyncadd.s32 $0xFFFFFFFF  }
0xbc: {  	_ =	strace $0x90000048  }
0xbd: {  	_ =	sfence  }
0xbe: {  	s30 =	sld [smem:$0x0];
	_ =	sdelay $0x2  }
0xbf: {  	s31 =	sshll.u32 s1, $0xD;
	s1 =	sshrl.u32 s1, $0x2  }
0xc0: {  	s3 =	sand.u32 $0x4000, s31;
	s1 =	sadd.s32 s1, s30  }
0xc1: {  	s0 =	sor.u32 s3, s0;
	s1 =	sshll.u32 s1, $0x11  }
0xc2: {  	s0 =	sor.u32 s1, s0  }
0xc3: {  	s0 =	sadd.s32 $0x8F2B, s0  }
0xc4: {  	[sflag:s0] =	ssyncadd.remote.s32 $0x1  }
0xc5: {  	_ =	sfence.sel $0xFFFF  }
0xc6: {  	[dreg:$0x0] =	wrdreg $0xFFFFFFFF;
	(pc) =	sbr.abs _section_cstart, $3  }
0xc7: {  	[dreg:$0x1] =	wrdreg $0xFFFFFFFF  }
0xc8: {  	_ =	task.clear_ibuf [dreg:s11], $0x2FFFF;
	_ =	strace $0x9FFFFFFF  }
0xc9: {  	(tm) =	ssettm $0x7FFFFFFF  }
tec
execute0_lowered:
.L_overlay_start_1:
0x0: {  	(tag) =	ssettag $0x1  }
0x1: {  	s1 =	rddreg [dreg:$0x0];
	s0 =	srdreg.scid  }
0x2: {  	s2 =	rddreg [dreg:$0x1];
	s5 =	stileid.u32;
	s0 =	sand.u32 $0x1, s0  }
0x3: {  	s5 =	sshll.u32 s5, $0xD;
	s4 =	ssub.s32 $0x2, s0;
	s0 =	sshll.u32 s0, $0xC  }
0x4: {  	s3 =	rddreg [dreg:$0x2];
	s7 =	simm.s32 $0x0;
	s8 =	sor.u32 s0, s5  }
0x5: {  	[smem:$0x7FF] =	sst s7;
	s15 =	sshrl.u32 s8, $0x3  }
0x6: {  	s6 =	rddreg [dreg:$0x4];
	_ =	strace $0x80000047;
	s16 =	sadd.s32 s1, s15  }
0x7: {  	s9 =	sshrl.u32 s4, $0x1;
	s17 =	sadd.s32 s2, s15;
	[dreg:$0x6] =	wrdreg s16  }
0x8: {  	s14 =	ssub.s32 s4, s9;
	s19 =	sadd.s32 s3, s15;
	[dreg:$0x7] =	wrdreg s17  }
0x9: {  	s18 =	sor.u32 $0x4000, s15;
	s0 =	smax.u32 s14, $0x1;
	[dreg:$0x8] =	wrdreg s19  }
0xa: {  	s20 =	sadd.s32 s1, s18;
	[dreg:$0x12] =	wrdreg s0  }
0xb: {  	s10 =	sadd.s32 s2, s18;
	[dreg:$0x9] =	wrdreg s20  }
0xc: {  	s21 =	sor.u32 $0x8000, s15;
	s5 =	sadd.s32 s3, s18;
	[dreg:$0xa] =	wrdreg s10  }
0xd: {  	s22 =	sadd.s32 s1, s21;
	[dreg:$0xb] =	wrdreg s5  }
0xe: {  	s28 =	simm.s32 $0x7;
	s23 =	sadd.s32 s2, s21;
	[dreg:$0xc] =	wrdreg s22  }
0xf: {  	s4 =	sor.u32 $0xC000, s15;
	s24 =	sadd.s32 s3, s21;
	[dreg:$0xd] =	wrdreg s23  }
0x10: {  	s29 =	simm.s32 $0x8;
	s25 =	sadd.s32 s1, s4;
	[dreg:$0xe] =	wrdreg s24  }
0x11: {  	s30 =	simm.s32 $0x5;
	s26 =	sadd.s32 s2, s4;
	[dreg:$0xf] =	wrdreg s25  }
0x12: {  	s31 =	simm.s32 $0x0;
	s4 =	sadd.s32 s3, s4;
	[dreg:$0x10] =	wrdreg s26  }
0x13: {  	s21 =	sor.u32 $0x80000, s8;
	[dreg:$0x11] =	wrdreg s4;
	s25 =	simm.s32 $0x80  }
.LBB2_1:
0x14: {  	s0 =	rddreg [dreg:$0x6];
	s4 =	simm.s32 $0x100  }
0x15: {  	[tilespmem:s4], [sflag:$0x1] =	stream.linear.gather [hbm4b:s0+s7], $0x1000, $0x38;
	[tilespmem:$0x10100] =	vst v63  }
0x16: {  	s19 =	rddreg [dreg:$0x7];
	s20 =	simm.s32 $0x4100  }
0x17: {  	[tilespmem:s20], [sflag:$0x1] =	stream.linear.gather [hbm4b:s19+s7], $0x1000, $0x38;
	[tilespmem:$0x10100] =	vst v63  }
0x18: {  	s22 =	rddreg [dreg:$0x8];
	s23 =	simm.s32 $0x8100  }
0x19: {  	[tilespmem:s23], [sflag:$0x1] =	stream.linear.gather [hbm4b:s22+s7], $0x1000, $0x38;
	[tilespmem:$0x10100] =	vst v63  }
0x1a: {  	s24 =	rddreg [dreg:$0x9];
	s26 =	simm.s32 $0x1100  }
0x1b: {  	[tilespmem:s26], [sflag:$0x2] =	stream.linear.gather [hbm4b:s24+s7], $0x1000, $0x38;
	[tilespmem:$0x10100] =	vst v63  }
0x1c: {  	s5 =	simm.s32 $0x5100;
	s4 =	rddreg [dreg:$0xa]  }
0x1d: {  	[tilespmem:s5], [sflag:$0x2] =	stream.linear.gather [hbm4b:s4+s7], $0x1000, $0x38;
	[tilespmem:$0x10100] =	vst v63  }
0x1e: {  	s9 =	rddreg [dreg:$0xb];
	s10 =	simm.s32 $0x9100  }
0x1f: {  	[tilespmem:s10], [sflag:$0x2] =	stream.linear.gather [hbm4b:s9+s7], $0x1000, $0x38;
	[tilespmem:$0x10100] =	vst v63  }
0x20: {  	s11 =	rddreg [dreg:$0xc];
	s12 =	simm.s32 $0x2100  }
0x21: {  	[tilespmem:s12], [sflag:$0x3] =	stream.linear.gather [hbm4b:s11+s7], $0x1000, $0x38;
	[tilespmem:$0x10100] =	vst v63  }
0x22: {  	s13 =	rddreg [dreg:$0xd];
	s14 =	simm.s32 $0x6100  }
0x23: {  	[tilespmem:s14], [sflag:$0x3] =	stream.linear.gather [hbm4b:s13+s7], $0x1000, $0x38;
	[tilespmem:$0x10100] =	vst v63  }
0x24: {  	s15 =	rddreg [dreg:$0xe];
	s16 =	simm.s32 $0xA100  }
0x25: {  	[tilespmem:s16], [sflag:$0x3] =	stream.linear.gather [hbm4b:s15+s7], $0x1000, $0x38;
	[tilespmem:$0x10100] =	vst v63  }
0x26: {  	s17 =	rddreg [dreg:$0xf];
	s18 =	simm.s32 $0x3100  }
0x27: {  	[tilespmem:s18], [sflag:$0x4] =	stream.linear.gather [hbm4b:s17+s7], $0x1000, $0x38;
	[tilespmem:$0x10100] =	vst v63  }
0x28: {  	s19 =	rddreg [dreg:$0x10];
	s20 =	simm.s32 $0x7100  }
0x29: {  	[tilespmem:s20], [sflag:$0x4] =	stream.linear.gather [hbm4b:s19+s7], $0x1000, $0x38;
	[tilespmem:$0x10100] =	vst v63  }
0x2a: {  	s22 =	rddreg [dreg:$0x11];
	s23 =	simm.s32 $0xB100  }
0x2b: {  	[tilespmem:s23], [sflag:$0x4] =	stream.linear.gather [hbm4b:s22+s7], $0x1000, $0x38;
	[tilespmem:$0x10100] =	vst v63  }
0x2c: {  	s24 =	rddreg [dreg:$0x3];
	s26 =	simm.s32 $0x9  }
0x2d: {  	[tilespmem:s7], [sflag:$0x9] =	stream.linear.gather [hbm4b:s24+s7], $0xF, $0x38;
	[tilespmem:$0x10100] =	vst v63  }
0x2e: {  	_ =	swait.ge [sflag:s26], $0xF  }
0x2f: {  	[sflag:s26] =	ssyncset.done $0x0  }
0x30: {  	[sflag:s26] =	ssyncadd.s32 $0xFFFFFFF1  }
0x31: {  	v0 =	vld [tilespmem:$0x0];
	_ =	sdelay $0x4  }
0x32: {  	v0 =	vsub.f32 $0.0e+00, v0;
	_ =	sdelay $0x1  }
0x33: {  	v0 =	vmul.f32 $1.442695020e+00, v0;
	_ =	sdelay $0x1  }
0x34: {  	(erf) = vpow2.f32 v0;
	_ =	sdelay $0x8  }
0x35: {  	v0 =	vpop (erf)  }
0x36: {  	v0 =	vsub.f32 $0.0e+00, v0;
	_ =	sdelay $0x1  }
0x37: {  	s0 =	simm.s32 $0x0;
	s5 =	simm.s32 $0x0;
	[tilespmem:$0x80] =	vst v0  }
.LBB2_2:
0x38: {  	s23 =	sand.u32 $0x3, s5  }
0x39: {  	s4 =	sadd.s32 $0x1, s23  }
0x3a: {  	_ =	swait.ge [sflag:s4], $0x1000  }
0x3b: {  	[sflag:s4] =	ssyncset.done $0x0  }
0x3c: {  	[sflag:s4] =	ssyncadd.s32 $0xFFFFF000  }
0x3d: {  	_ =	swait.ge [sflag:s4], $0x1000  }
0x3e: {  	[sflag:s4] =	ssyncset.done $0x0  }
0x3f: {  	s9 =	sand.u32 $0x3, s0;
	[sflag:s4] =	ssyncadd.s32 $0xFFFFF000  }
0x40: {  	p0 =	slt.u32 s5, $0x4;
	s14 =	simm.s32 $0x0;
	_ =	swait.ge [sflag:s4], $0x1000  }
0x41: {  	s13 =	sshll.u32 s9, $0xC;
	s10 =	sadd.s32 @!p0 $0x5, s23;
	[sflag:s4] =	ssyncset.done $0x0  }
0x42: {  	s9 =	sshll.u32 s23, $0xC;
	s11 =	sand.u32 $0x380, s14;
	[sflag:s4] =	ssyncadd.s32 $0xFFFFF000  }
0x43: {  	s12 =	sand.u32 $0x3, s14;
	s15 =	sand.u32 $0xC00, s14;
	_ =	swait.ge @!p0 [sflag:s10], $0x1000  }
0x44: {  	s11 =	sor.u32 s11, s9;
	s12 =	sshll.u32 s12, $0xA;
	[sflag:s10] =	ssyncset.done @!p0 $0x0  }
0x45: {  	s16 =	sadd.s32 s12, s13;
	[sflag:s10] =	ssyncadd.s32 @!p0 $0xFFFFF000;
	s10 =	sor.u32 s15, s11  }
0x46: {  	s12 =	sor.u32 $0x70, s16;
	v0 =	vld [tilespmem:s10+$0x4150]  }
0x47: {  	s11 =	sor.u32 $0x60, s16;
	v1 =	vld [tilespmem:s12+$0x4100]  }
0x48: {  	v2 =	vld [tilespmem:s11+$0x4100];
	_ =	sdelay $0x1  }
0x49: {  	v3 =	vld [tilespmem:s11+$0x8100]  }
0x4a: {  	v4 =	vld [tilespmem:s10+$0x4100];
	v0 =	vmul.f32 $5.129898550e+00, v0  }
0x4b: {  	v5 =	vld [tilespmem:s10+$0x4110];
	v1 =	vmul.f32 $5.129898550e+00, v1  }
0x4c: {  	v2 =	vmul.f32 $5.129898550e+00, v2;
	v0 =	vmul.f32 $1.442695020e+00, v0  }
0x4d: {  	v9 =	vld [tilespmem:s10+$0x4120];
	v1 =	vmul.f32 $1.442695020e+00, v1  }
0x4e: {  	v7 =	vld [tilespmem:s10+$0x8150];
	v2 =	vmul.f32 $1.442695020e+00, v2;
	(erf) = vpow2.f32 v0  }
0x4f: {  	(erf) = vpow2.f32 v1;
	v1 =	vmul.f32 $5.129898550e+00, v4  }
0x50: {  	v8 =	vld [tilespmem:s12+$0x8100];
	(erf) = vpow2.f32 v2;
	v2 =	vmul.f32 $5.129898550e+00, v5  }
0x51: {  	v0 =	vld [tilespmem:s10+$0x4130];
	v1 =	vmul.f32 $1.442695020e+00, v1  }
0x52: {  	v10 =	vld [tilespmem:s10+$0x8110];
	v9 =	vmul.f32 $5.129898550e+00, v9;
	v2 =	vmul.f32 $1.442695020e+00, v2  }
0x53: {  	v4 =	vld.idx.msk [tilespmem:v3+s25+$0x0], $0xffff;
	(erf) = vpow2.f32 v1  }
0x54: {  	v3 =	vld [tilespmem:s10+$0x4140];
	(erf) = vpow2.f32 v2;
	v2 =	vmul.f32 $1.442695020e+00, v9  }
0x55: {  	v5 =	vld [tilespmem:s10+$0x8100]  }
0x56: {  	v1 =	vld.idx.msk [tilespmem:v7+s25+$0x0], $0xffff;
	v0 =	vmul.f32 $5.129898550e+00, v0  }
0x57: {  	v6 =	vld [tilespmem:s11+$0x100]  }
0x58: {  	v7 =	vld.idx.msk [tilespmem:v8+s25+$0x0], $0xffff;
	v0 =	vmul.f32 $1.442695020e+00, v0;
	(erf) = vpow2.f32 v2;
	v2 =	vpop (erf)  }
0x59: {  	v8 =	vld [tilespmem:s10+$0x8120];
	v3 =	vmul.f32 $5.129898550e+00, v3;
	v2 =	vadd.f32 $-1.000000000e+00, v2  }
0x5a: {  	v9 =	vld [tilespmem:s10+$0x8130];
	(erf) = vpow2.f32 v0;
	v12 =	vpop (erf)  }
0x5b: {  	v11 =	vld [tilespmem:s10+$0x8140];
	v12 =	vadd.f32 $-1.000000000e+00, v12;
	v1 =	vmul.f32 v2, v1;
	v2 =	vmul.f32 $1.442695020e+00, v3  }
0x5c: {  	v13 =	vld [tilespmem:s10+$0x100];
	v14 =	vpop (erf)  }
0x5d: {  	v15 =	vld.idx.msk [tilespmem:v5+s25+$0x0], $0xffff;
	v14 =	vadd.f32 $-1.000000000e+00, v14;
	v0 =	vmul.f32 v12, v7;
	(erf) = vpow2.f32 v2  }
0x5e: {  	v5 =	vld.idx.msk [tilespmem:v10+s25+$0x0], $0xffff;
	v1 =	vmul.f32 $1.442695020e+00, v1  }
0x5f: {  	v3 =	vld [tilespmem:s10+$0x110];
	v7 =	vmul.f32 v14, v4;
	v10 =	vmul.f32 $1.442695020e+00, v0  }
0x60: {  	v4 =	vpop (erf);
	v2 =	vld [tilespmem:s10+$0x120]  }
0x61: {  	v62 =	vadd.f32 $-1.000000000e+00, v4;
	v63 =	vpop (erf);
	v4 =	vld.idx.msk [tilespmem:v8+s25+$0x0], $0xffff;
	v16 =	vmul.f32 $1.442695020e+00, v7;
	(erf) = vpow2.f32 v1  }
0x62: {  	s18 =	simm.s32 $0x0;
	s19 =	simm.s32 $0x20;
	s20 =	simm.s32 $0x400;
	v0 =	vsub.f32 $1.000000000e+00, v6;
	v6 =	vld.idx.msk [tilespmem:v9+s25+$0x0], $0xffff;
	v8 =	vadd.f32 $-1.000000000e+00, v63;
	(erf) = vpow2.f32 v10  }
0x63: {  	s17 =	sor.u32 $0x100, s9;
	s16 =	sor.u32 $0x4100, s9;
	s15 =	sor.u32 $0x8100, s9;
	v1 =	vsub.f32 $1.000000000e+00, v13;
	v7 =	vld.idx.msk [tilespmem:v11+s25+$0x0], $0xffff;
	v9 =	vmul.f32 v62, v15;
	(erf) = vpow2.f32 v16;
	v10 =	vpop (erf)  }
.LBB2_3:
0x64: {  	s22 =	sand.u32 $0xC00, s20;
	s24 =	sand.u32 $0x380, s19;
	v3 =	vsub.f32 $1.000000000e+00, v3;
	v5 =	vmul.f32 v8, v5;
	v8 =	vadd.f32 $-1.000000000e+00, v10;
	v10 =	vld [tilespmem:s10+$0x150];
	s14 =	sadd.s32 $0x1, s14;
	v11 =	vpop (erf)  }
0x65: {  	s18 =	sadd.s32 $0x80, s18;
	s26 =	sand.u32 $0x3, s14;
	s24 =	sor.u32 s24, s9;
	v9 =	vmul.f32 $1.442695020e+00, v9;
	v2 =	vsub.f32 $1.000000000e+00, v2;
	v11 =	vadd.f32 $-1.000000000e+00, v11;
	v12 =	vld [tilespmem:s12+$0x100]  }
0x66: {  	s13 =	sadd.s32 $0x20, s13;
	p0 =	slt.u32 s18, $0xF80;
	s26 =	sshll.u32 s26, $0xA;
	v5 =	vmul.f32 $1.442695020e+00, v5;
	v13 =	vld [tilespmem:s10+$0x130];
	v14 =	vpop (erf)  }
0x67: {  	s22 =	sor.u32 s22, s24;
	v4 =	vmul.f32 v8, v4;
	s26 =	sadd.s32 s26, s13;
	v8 =	vld [tilespmem:s10+$0x140];
	v15 =	vadd.f32 $-1.000000000e+00, v14;
	(erf) = vpow2.f32 v9  }
0x68: {  	v6 =	vmul.f32 v11, v6;
	v9 =	vld [tilespmem:s22+$0x4150];
	s24 =	sor.u32 $0x60, s26;
	s26 =	sor.u32 $0x70, s26;
	(erf) = vpow2.f32 v5  }
0x69: {  	v17 =	vmul.f32 $1.442695020e+00, v4;
	v5 =	vld [tilespmem:s26+$0x4100];
	v7 =	vmul.f32 v15, v7;
	v10 =	vsub.f32 $1.000000000e+00, v10  }
0x6a: {  	v6 =	vmul.f32 $1.442695020e+00, v6;
	v11 =	vld [tilespmem:s24+$0x4100];
	v12 =	vsub.f32 $1.000000000e+00, v12;
	v14 =	vpop (erf)  }
0x6b: {  	v15 =	vld [tilespmem:s24+$0x8100];
	v13 =	vsub.f32 $1.000000000e+00, v13;
	v7 =	vmul.f32 $1.442695020e+00, v7;
	v10 =	vmul.f32 v14, v10;
	v14 =	vpop (erf)  }
0x6c: {  	v16 =	vld [tilespmem:s24+$0x100];
	v8 =	vsub.f32 $1.000000000e+00, v8;
	v12 =	vmul.f32 v14, v12;
	(erf) = vpow2.f32 v17;
	v4 =	vpop (erf)  }
0x6d: {  	v14 =	vld [tilespmem:s22+$0x4100];
	v9 =	vmul.f32 $5.129898550e+00, v9;
	v10 =	vsub.f32 $1.000000000e+00, v10;
	v0 =	vmul.f32 v4, v0  }
0x6e: {  	v4 =	vld [tilespmem:s22+$0x4110];
	v5 =	vmul.f32 $5.129898550e+00, v5;
	v18 =	vsub.f32 $1.000000000e+00, v12;
	(erf) = vpow2.f32 v6  }
0x6f: {  	v6 =	vld [tilespmem:s22+$0x8150];
	v19 =	vmul.f32 $1.442695020e+00, v9;
	v11 =	vmul.f32 $5.129898550e+00, v11;
	[tilespmem:s10+$0xC150] =	vst v10;
	v10 =	vsub.f32 $1.000000000e+00, v0  }
0x70: {  	v17 =	vld [tilespmem:s26+$0x8100];
	v5 =	vmul.f32 $1.442695020e+00, v5;
	[tilespmem:s12+$0xC100] =	vst v18;
	v12 =	vpop (erf);
	(erf) = vpow2.f32 v7;
	s12 =	smov.u32 s26  }
0x71: {  	v7 =	vld [tilespmem:s22+$0x4120];
	v11 =	vmul.f32 $1.442695020e+00, v11;
	v0 =	vsub.f32 $1.000000000e+00, v16;
	(erf) = vpow2.f32 v19;
	[tilespmem:s11+$0xC100] =	vst v10;
	v9 =	vpop (erf);
	s11 =	smov.u32 s24  }
0x72: {  	v10 =	vmul.f32 $5.129898550e+00, v14;
	v14 =	vld [tilespmem:s22+$0x4130];
	(erf) = vpow2.f32 v5  }
0x73: {  	v4 =	vmul.f32 $5.129898550e+00, v4;
	v15 =	vld.idx.msk [tilespmem:v15+s25+$0x0], $0xffff;
	(erf) = vpow2.f32 v11  }
0x74: {  	v1 =	vmul.f32 v12, v1;
	v5 =	vmul.f32 $1.442695020e+00, v10;
	v10 =	vld [tilespmem:s22+$0x4140]  }
0x75: {  	v3 =	vmul.f32 v9, v3;
	v11 =	vld [tilespmem:s22+$0x8100];
	v16 =	vmul.f32 $1.442695020e+00, v4;
	v9 =	vpop (erf)  }
0x76: {  	v1 =	vsub.f32 $1.000000000e+00, v1;
	v12 =	vld [tilespmem:s22+$0x8110];
	v7 =	vmul.f32 $5.129898550e+00, v7;
	(erf) = vpow2.f32 v5  }
0x77: {  	v5 =	vmul.f32 $5.129898550e+00, v14;
	v6 =	vld.idx.msk [tilespmem:v6+s25+$0x0], $0xffff;
	(erf) = vpow2.f32 v16;
	v16 =	vsub.f32 $1.000000000e+00, v3;
	v4 =	vpop (erf)  }
0x78: {  	v18 =	vmul.f32 $1.442695020e+00, v7;
	v14 =	vld.idx.msk [tilespmem:v17+s25+$0x0], $0xffff;
	[tilespmem:s10+$0xC100] =	vst v1;
	v1 =	vmul.f32 v9, v2  }
0x79: {  	v9 =	vld [tilespmem:s22+$0x8120];
	v19 =	vmul.f32 $1.442695020e+00, v5;
	v5 =	vmul.f32 $5.129898550e+00, v10;
	[tilespmem:s10+$0xC110] =	vst v16;
	v3 =	vpop (erf)  }
0x7a: {  	v4 =	vmul.f32 v4, v13;
	v10 =	vld [tilespmem:s22+$0x8130];
	(erf) = vpow2.f32 v18;
	v7 =	vpop (erf);
	v1 =	vsub.f32 $1.000000000e+00, v1  }
0x7b: {  	v13 =	vld [tilespmem:s22+$0x8140];
	v5 =	vmul.f32 $1.442695020e+00, v5;
	v7 =	vadd.f32 $-1.000000000e+00, v7;
	(erf) = vpow2.f32 v19;
	v2 =	vpop (erf)  }
0x7c: {  	v3 =	vmul.f32 v3, v8;
	v16 =	vld [tilespmem:s22+$0x100];
	v18 =	vadd.f32 $-1.000000000e+00, v2;
	v17 =	vpop (erf);
	[tilespmem:s10+$0xC120] =	vst v1;
	v1 =	vsub.f32 $1.000000000e+00, v4  }
0x7d: {  	v11 =	vld.idx.msk [tilespmem:v11+s25+$0x0], $0xffff;
	v8 =	vmul.f32 v7, v6;
	v6 =	vadd.f32 $-1.000000000e+00, v17;
	(erf) = vpow2.f32 v5  }
0x7e: {  	v5 =	vld.idx.msk [tilespmem:v12+s25+$0x0], $0xffff;
	v7 =	vmul.f32 v18, v14;
	[tilespmem:s10+$0xC130] =	vst v1;
	v1 =	vsub.f32 $1.000000000e+00, v3  }
.Ltmp0:
0x7f: {  	v3 =	vld [tilespmem:s22+$0x110];
	v12 =	vmul.f32 $1.442695020e+00, v8;
	v6 =	vmul.f32 v6, v15;
	v2 =	vpop (erf);
	(pc) =	sbr.rel @p0 .LBB2_3-.Ltmp0, $4  }
0x80: {  	v14 =	vadd.f32 $-1.000000000e+00, v2;
	v2 =	vld [tilespmem:s22+$0x120];
	v7 =	vmul.f32 $1.442695020e+00, v7;
	v4 =	vpop (erf);
	[tilespmem:s10+$0xC140] =	vst v1;
	s10 =	smov.u32 s22  }
0x81: {  	v8 =	vadd.f32 $-1.000000000e+00, v4;
	v4 =	vld.idx.msk [tilespmem:v9+s25+$0x0], $0xffff;
	v15 =	vmul.f32 $1.442695020e+00, v6;
	(erf) = vpow2.f32 v12  }
0x82: {  	v1 =	vsub.f32 $1.000000000e+00, v16;
	v6 =	vld.idx.msk [tilespmem:v10+s25+$0x0], $0xffff;
	(erf) = vpow2.f32 v7  }
0x83: {  	s19 =	sadd.s32 $0x20, s19;
	s20 =	sadd.s32 $0x400, s20;
	v9 =	vmul.f32 v14, v11;
	v7 =	vld.idx.msk [tilespmem:v13+s25+$0x0], $0xffff;
	v10 =	vpop (erf);
	(erf) = vpow2.f32 v15  }
0x84: {  	_ = 	snop  }
0x85: {  	v5 =	vmul.f32 v8, v5;
	v37 =	vadd.f32 $-1.000000000e+00, v10;
	v38 =	vpop (erf)  }
0x86: {  	v9 =	vmul.f32 $1.442695020e+00, v9;
	v10 =	vadd.f32 $-1.000000000e+00, v38;
	v11 =	vpop (erf)  }
0x87: {  	v5 =	vmul.f32 $1.442695020e+00, v5;
	v4 =	vmul.f32 v37, v4;
	v39 =	vadd.f32 $-1.000000000e+00, v11  }
0x88: {  	(erf) = vpow2.f32 v9;
	v6 =	vmul.f32 v10, v6  }
0x89: {  	v40 =	vld [tilespmem:s10+$0x150];
	v4 =	vmul.f32 $1.442695020e+00, v4;
	v7 =	vmul.f32 v39, v7  }
0x8a: {  	v41 =	vld [tilespmem:s12+$0x100];
	(erf) = vpow2.f32 v5;
	v42 =	vmul.f32 $1.442695020e+00, v6  }
0x8b: {  	(erf) = vpow2.f32 v4;
	v43 =	vmul.f32 $1.442695020e+00, v7  }
0x8c: {  	(erf) = vpow2.f32 v42  }
0x8d: {  	(erf) = vpow2.f32 v43  }
0x8e: {  	v44 =	vsub.f32 $1.000000000e+00, v40  }
0x8f: {  	v46 =	vld [tilespmem:s10+$0x130];
	v47 =	vsub.f32 $1.000000000e+00, v41;
	v45 =	vpop (erf)  }
0x90: {  	v49 =	vld [tilespmem:s10+$0x140];
	v48 =	vpop (erf);
	v4 =	vmul.f32 v45, v44  }
0x91: {  	v50 =	vpop (erf);
	v7 =	vmul.f32 v48, v47  }
0x92: {  	v3 =	vsub.f32 $1.000000000e+00, v3;
	v4 =	vsub.f32 $1.000000000e+00, v4;
	v0 =	vmul.f32 v50, v0;
	v51 =	vpop (erf)  }
0x93: {  	v2 =	vsub.f32 $1.000000000e+00, v2;
	v7 =	vsub.f32 $1.000000000e+00, v7;
	v52 =	vpop (erf);
	v1 =	vmul.f32 v51, v1  }
0x94: {  	v53 =	vsub.f32 $1.000000000e+00, v46;
	[tilespmem:s10+$0xC150] =	vst v4;
	v0 =	vsub.f32 $1.000000000e+00, v0;
	v3 =	vmul.f32 v52, v3;
	v54 =	vpop (erf)  }
0x95: {  	v55 =	vsub.f32 $1.000000000e+00, v49;
	[tilespmem:s12+$0xC100] =	vst v7;
	v1 =	vsub.f32 $1.000000000e+00, v1;
	v56 =	vpop (erf);
	v2 =	vmul.f32 v54, v2  }
0x96: {  	[tilespmem:s11+$0xC100] =	vst v0;
	v57 =	vsub.f32 $1.000000000e+00, v3;
	v59 =	vmul.f32 v56, v53;
	v58 =	vpop (erf)  }
0x97: {  	[tilespmem:s10+$0xC100] =	vst v1;
	v60 =	vsub.f32 $1.000000000e+00, v2;
	v61 =	vmul.f32 v58, v55  }
0x98: {  	s11 =	sshll.u32 s5, $0x11;
	[tilespmem:s10+$0xC110] =	vst v57;
	v62 =	vsub.f32 $1.000000000e+00, v59  }
0x99: {  	s24 =	sor.u32 s8, s11;
	[tilespmem:s10+$0xC120] =	vst v60;
	v63 =	vsub.f32 $1.000000000e+00, v61  }
0x9a: {  	s9 =	sadd.s32 $0xC100, s9;
	s12 =	sshrl.u32 s24, $0x3;
	[tilespmem:s10+$0xC130] =	vst v62  }
0x9b: {  	s26 =	sadd.s32 $0x5, s23;
	p0 =	sgt.u32 s5, $0x14;
	s12 =	sadd.s32 s6, s12;
	[tilespmem:s10+$0xC140] =	vst v63  }
0x9c: {  	[hbm4b:s12+s7] =	stream.linear.scatter [tilespmem:s9], [sflag:s26], $0x1000, $0x38;
	[tilespmem:$0x10100] =	vst v63  }
0x9d: {  	s9 =	sadd.s32 @!p0 s21, s11  }
0x9e: {  	s9 =	sshrl.u32 @!p0 s9, $0x3  }
0x9f: {  	s11 =	simm.s32 @!p0 $0x0;
	s10 =	sadd.s32 @!p0 s1, s9  }
0xa0: {  	[tilespmem:s17], [sflag:s4] =	stream.linear.gather @!p0 [hbm4b:s10+s11], $0x1000, $0x38;
	[tilespmem:$0x10100] =	vst v63  }
0xa1: {  	s10 =	sadd.s32 @!p0 s2, s9  }
0xa2: {  	[tilespmem:s16], [sflag:s4] =	stream.linear.gather @!p0 [hbm4b:s10+s11], $0x1000, $0x38;
	[tilespmem:$0x10100] =	vst v63  }
0xa3: {  	s5 =	sadd.s32 $0x1, s5;
	s9 =	sadd.s32 @!p0 s3, s9  }
0xa4: {  	[tilespmem:s15], [sflag:s4] =	stream.linear.gather @!p0 [hbm4b:s9+s11], $0x1000, $0x38;
	[tilespmem:$0x10100] =	vst v63  }
0xa5: {  	p0 =	sne.s32 s5, $0x19  }
.Ltmp1:
0xa6: {  	_ = 	snop;
	(pc) =	sbr.rel @p0 .LBB2_2-.Ltmp1, $2  }
0xa7: {  	_ =	sdelay $0x2  }
0xa8: {  	s0 =	sadd.s32 $0x1, s0  }
0xa9: {  	s0 =	simm.s32 $0x6  }
0xaa: {  	_ =	swait.ge [sflag:s0], $0x1000  }
0xab: {  	[sflag:s0] =	ssyncset.done $0x0  }
0xac: {  	[sflag:s0] =	ssyncadd.s32 $0xFFFFF000  }
0xad: {  	_ =	swait.ge [sflag:s28], $0x1000  }
0xae: {  	[sflag:s28] =	ssyncset.done $0x0  }
0xaf: {  	[sflag:s28] =	ssyncadd.s32 $0xFFFFF000  }
0xb0: {  	_ =	swait.ge [sflag:s29], $0x1000  }
0xb1: {  	[sflag:s29] =	ssyncset.done $0x0  }
0xb2: {  	[sflag:s29] =	ssyncadd.s32 $0xFFFFF000  }
0xb3: {  	_ =	swait.ge [sflag:s30], $0x1000  }
0xb4: {  	s31 =	sadd.s32 $0x1, s31;
	s26 =	rddreg [dreg:$0x12]  }
0xb5: {  	p0 =	sne.s32 s31, s26  }
.Ltmp2:
0xb6: {  	_ = 	snop;
	(pc) =	sbr.rel @p0 .LBB2_1-.Ltmp2, $3  }
0xb7: {  	_ =	sdelay $0x1  }
0xb8: {  	[sflag:s30] =	ssyncset.done $0x0  }
0xb9: {  	[sflag:s30] =	ssyncadd.s32 $0xFFFFF000  }
0xba: {  	_ =	sfence.sel $0x180000  }
0xbb: {  	[bflag:$0x0] =	sbarrier.arrive $0xFFFF  }
0xbc: {  	_ =	strace $0x90000047  }
0xbd: {  	s0 =	stileid.u32;
	[bflag:$0x2] =	sbarrier.arrive $0xFFFF  }
0xbe: {  	p0 =	sne.s32 s0, $0x0;
	s0 =	rddreg [dreg:$0x5]  }
0xbf: {  	s0 =	sadd.s32 @!p0 $0x100000, s0  }
0xc0: {  	[sflag:s0] =	ssyncadd.tile.s32 @!p0 $0x1;
	_ =	shalt  }
.Lfunc_end2:
_tile_overlayer_lowered:
.L_overlay_start_2:
0xc1: {  	(tag) =	ssettag $0x2  }
0xc2: {  	s0 =	rddreg [dreg:$0x0];
	s2 =	stileid.u32  }
0xc3: {  	s1 =	rddreg [dreg:$0x1];
	p0 =	sne.s32 s2, $0x0  }
0xc4: {  	s3 =	rddreg [dreg:$0x2];
	[bflag:$0x3] =	sbarrier.arrive $0xFFFF;
	s2 =	simm.s32 @!p0 $0x1C09  }
0xc5: {  	[timem:s3], [sflag:s2] =	dma.local @!p0 [hbm:s0], s1  }
0xc6: {  	s0 =	simm.s32 @!p0 $0x9  }
0xc7: {  	_ =	swait.ge @!p0 [sflag:s0], s1  }
0xc8: {  	s1 =	ssub.s32 @!p0 $0x0, s1;
	[sflag:s0] =	ssyncset.done @!p0 $0x0  }
0xc9: {  	[sflag:s0] =	ssyncadd.s32 @!p0 s1  }
0xca: {  	[bflag:$0x3] =	sbarrier.arrive $0xFFFF  }
0xcb: {  	_ =	shalt  }

</sc_bundles>
